<compile_context>
chip_gen: v7x
topology: tpu7x:2x2x1
jax: 0.10.2.dev20260603
libtpu: 0.0.44.dev20260713+nightly
codegen_flags: <defaults>
</compile_context>

<pallas_src>
import functools

import jax
import jax.numpy as jnp
from jax import lax
from jax.experimental import pallas as pl
from jax.experimental.pallas import tpu as pltpu
from jax.experimental.pallas import tpu_sc as plsc

NC = 2
NS = 16
NW = NC * NS


def _mesh():
    return plsc.VectorSubcoreMesh(core_axis_name="c", subcore_axis_name="s")


def _sc_gather_rows(table, idx_flat, ch=128):
    n = idx_flat.shape[0]
    e = table.shape[1]
    per_w = n // NW
    n_ch = per_w // ch

    @functools.partial(
        pl.kernel,
        out_type=jax.ShapeDtypeStruct((n, e), jnp.float32),
        mesh=_mesh(),
        scratch_types=[
            pltpu.VMEM((per_w,), jnp.int32),
            pltpu.VMEM((ch,), jnp.int32),
            pltpu.VMEM((ch,), jnp.int32),
            pltpu.VMEM((ch, e), jnp.float32),
            pltpu.VMEM((ch, e), jnp.float32),
            pltpu.SemaphoreType.DMA,
            pltpu.SemaphoreType.DMA,
            pltpu.SemaphoreType.DMA,
            pltpu.SemaphoreType.DMA,
        ],
    )
    def k(table_hbm, idx_hbm, out_hbm, ids_v, idx0, idx1, buf0, buf1,
          sg0, sg1, sw0, sw1):
        wid = lax.axis_index("s") * NC + lax.axis_index("c")
        base = wid * per_w
        idxs = (idx0, idx1)
        bufs = (buf0, buf1)
        sgs = (sg0, sg1)
        sws = (sw0, sw1)
        pltpu.sync_copy(idx_hbm.at[pl.ds(base, per_w)], ids_v)

        def start_gather(r, ci):
            for kk in range(ch // 16):
                sl = pl.ds(kk * 16, 16)
                idxs[r][sl] = ids_v[pl.ds(ci * ch + kk * 16, 16)]
            pltpu.async_copy(table_hbm.at[idxs[r]], bufs[r], sgs[r])

        def finish_and_write(r, ci):
            pltpu.make_async_copy(table_hbm.at[idxs[r]], bufs[r],
                                  sgs[r]).wait()
            pltpu.async_copy(bufs[r], out_hbm.at[pl.ds(base + ci * ch, ch)],
                             sws[r])

        def wait_write(r):
            pltpu.make_async_copy(bufs[r], out_hbm.at[pl.ds(0, ch)],
                                  sws[r]).wait()

        def body2(o, carry):
            for r in (0, 1):
                ci = 2 * o + r

                @pl.when(ci >= 2)
                def _():
                    wait_write(r)

                start_gather(r, ci)

                @pl.when(ci >= 1)
                def _():
                    finish_and_write(1 - r, ci - 1)

            return carry

        lax.fori_loop(0, n_ch // 2, body2, 0)
        finish_and_write((n_ch - 1) % 2, n_ch - 1)
        wait_write(0)
        wait_write(1)

    return k(table, idx_flat)


def _tc_node_linear(repr3, head_ids, tail_ids, rel_ids,
                    rel_table, ws, wn, wr):
    bsz, m, e = repr3.shape
    mt = head_ids.shape[1]
    r = rel_table.shape[0]
    head3 = head_ids.reshape(bsz, 1, mt)
    tail3 = tail_ids.reshape(bsz, 1, mt)
    rel3 = rel_ids.reshape(bsz, 1, mt)
    f32 = jnp.float32
    bf16 = jnp.bfloat16

    def body(repr_ref, head_ref, tail_ref, relid_ref,
             rel_ref, ws_ref, wn_ref, wr_ref, out_ref):
        x16 = repr_ref[0].astype(bf16)
        iota_g = lax.broadcasted_iota(jnp.int32, (m, mt), 0)
        ah = (iota_g == head_ref[0]).astype(bf16)
        at = (iota_g == tail_ref[0]).astype(bf16)
        dn_min = (((1,), (1,)), ((), ()))
        badj = lax.dot_general(at, ah, dn_min, preferred_element_type=f32)
        badj += lax.dot_general(ah, at, dn_min, preferred_element_type=f32)
        deg = jnp.sum(badj, axis=1, keepdims=True)
        upd = lax.dot_general(badj.astype(bf16), x16,
                              (((1,), (0,)), ((), ())),
                              preferred_element_type=f32)
        inv = 1.0 / jnp.maximum(deg, 1.0)
        acc = lax.dot_general(x16, ws_ref[...], dn_min,
                              preferred_element_type=f32)
        acc += lax.dot_general((upd * inv).astype(bf16), wn_ref[...], dn_min,
                               preferred_element_type=f32)
        node = jnp.maximum(acc, 0.0).astype(bf16)

        rel2 = lax.dot_general(rel_ref[...], wr_ref[...], dn_min,
                               preferred_element_type=f32).astype(bf16)

        dn_sub = (((0,), (0,)), ((), ()))
        iota_r = lax.broadcasted_iota(jnp.int32, (r, mt), 0)
        ar = (iota_r == relid_ref[0]).astype(bf16)
        out_ref[0, :, 0:e] = lax.dot_general(ah, node, dn_sub,
                                             preferred_element_type=f32)
        out_ref[0, :, e:2 * e] = lax.dot_general(ar, rel2, dn_sub,
                                                 preferred_element_type=f32)
        out_ref[0, :, 2 * e:3 * e] = lax.dot_general(at, node, dn_sub,
                                                     preferred_element_type=f32)

    return pl.pallas_call(
        body,
        grid=(bsz,),
        in_specs=[
            pl.BlockSpec((1, m, e), lambda b: (b, 0, 0)),
            pl.BlockSpec((1, 1, mt), lambda b: (b, 0, 0)),
            pl.BlockSpec((1, 1, mt), lambda b: (b, 0, 0)),
            pl.BlockSpec((1, 1, mt), lambda b: (b, 0, 0)),
            pl.BlockSpec((r, e), lambda b: (0, 0)),
            pl.BlockSpec((e, e), lambda b: (0, 0)),
            pl.BlockSpec((e, e), lambda b: (0, 0)),
            pl.BlockSpec((e, e), lambda b: (0, 0)),
        ],
        out_specs=pl.BlockSpec((1, mt, 3 * e), lambda b: (b, 0, 0)),
        out_shape=jax.ShapeDtypeStruct((bsz, mt, 3 * e), f32),
    )(repr3, head3, tail3, rel3, rel_table, ws, wn, wr)


def kernel(concept_ids, relations, head_ids, tail_ids, concept_table,
           rel_table, W_s, W_n, W_r):
    bsz, m = concept_ids.shape
    mt = head_ids.shape[1]
    e = concept_table.shape[1]

    cids = concept_ids.astype(jnp.int32)
    rels = relations.astype(jnp.int32)
    hids = head_ids.astype(jnp.int32)
    tids = tail_ids.astype(jnp.int32)
    ws = W_s[-1].astype(jnp.float32)
    wn = W_n[-1].astype(jnp.float32)
    wr = W_r[-1].astype(jnp.float32)

    repr_flat = _sc_gather_rows(concept_table, cids.reshape(-1))

    repr3 = repr_flat.reshape(bsz, m, e)
    return _tc_node_linear(repr3, hids, tids, rels,
                           rel_table.astype(jnp.float32),
                           ws.astype(jnp.bfloat16), wn.astype(jnp.bfloat16),
                           wr)

# --- scband reference (transcript-rebuilt; emitter-appended) ---
"""Pipeline reference for scband-triple-encoder-64218351009926 (READ-ONLY COPY).

The authoritative reference and input builder live on the scoring server;
editing this copy changes nothing except your own understanding.
"""

import jax, jax.numpy as jnp
import numpy as np

NUM_HOPS = 2
B, M, Mt, E, V, R = 64, 512, 1024, 256, 100000, 40


def setup_inputs(seed: int = 0) -> dict:
    key = jax.random.key(seed)
    ks = jax.random.split(key, 9)
    concept_ids = jax.random.randint(ks[0], (B, M), 0, V, dtype=jnp.int64 if jax.config.jax_enable_x64 else jnp.int32)
    relations = jax.random.randint(ks[1], (B, Mt), 0, R)
    head_ids = jax.random.randint(ks[2], (B, Mt), 0, M)
    tail_ids = jax.random.randint(ks[3], (B, Mt), 0, M)
    concept_table = jax.random.normal(ks[4], (V, E), dtype=jnp.float32) * 0.02
    rel_table = jax.random.normal(ks[5], (R, E), dtype=jnp.float32) * 0.02
    scale = 1.0 / np.sqrt(E)
    W_s = jax.random.normal(ks[6], (NUM_HOPS, E, E), dtype=jnp.float32) * scale
    W_n = jax.random.normal(ks[7], (NUM_HOPS, E, E), dtype=jnp.float32) * scale
    W_r = jax.random.normal(ks[8], (NUM_HOPS, E, E), dtype=jnp.float32) * scale
    return {"concept_ids": concept_ids, "relations": relations, "head_ids": head_ids,
            "tail_ids": tail_ids, "concept_table": concept_table, "rel_table": rel_table,
            "W_s": W_s, "W_n": W_n, "W_r": W_r}


def _comp_gcn(concept_repr, rel_repr, head_ids, tail_ids, Ws, Wn, Wr):
    b, m, e = concept_repr.shape
    mt = head_ids.shape[1]
    b_idx = jnp.arange(b)[:, None]
    idx_h = jnp.broadcast_to(head_ids[:, :, None], (b, mt, e))
    idx_t = jnp.broadcast_to(tail_ids[:, :, None], (b, mt, e))
    o_h = jnp.take_along_axis(concept_repr, idx_h, axis=1)
    update_node = jnp.zeros((b, m, e), jnp.float32).at[b_idx, tail_ids].add(o_h)
    count_out = jnp.zeros((b, m), jnp.float32).at[b_idx, tail_ids].add(1.0)
    o_t = jnp.take_along_axis(concept_repr, idx_t, axis=1)
    update_node = update_node.at[b_idx, head_ids].add(o_t)
    count_out = count_out.at[b_idx, head_ids].add(1.0)
    out = jnp.einsum('bme,fe->bmf', concept_repr, Ws) + \
          jnp.einsum('bme,fe->bmf', update_node, Wn) / jnp.maximum(count_out, 1.0)[:, :, None]
    out = jax.nn.relu(out)
    rel_out = jnp.einsum('bte,fe->btf', rel_repr, Wr)
    return out, rel_out


def reference(concept_ids, relations, head_ids, tail_ids, concept_table, rel_table, W_s, W_n, W_r):
    concept_repr = jnp.take(concept_table, concept_ids, axis=0)
    rel_repr_in = jnp.take(rel_table, relations, axis=0)
    # Faithful to original: loop does NOT feed hidden states back (original code bug preserved)
    node_repr, rel_repr = None, None
    for i in range(NUM_HOPS):
        node_repr, rel_repr = _comp_gcn(concept_repr, rel_repr_in, head_ids, tail_ids,
                                        W_s[i], W_n[i], W_r[i])
    b, m, e = node_repr.shape
    mt = head_ids.shape[1]
    idx_h = jnp.broadcast_to(head_ids[:, :, None], (b, mt, e))
    idx_t = jnp.broadcast_to(tail_ids[:, :, None], (b, mt, e))
    head_repr = jnp.take_along_axis(node_repr, idx_h, axis=1)
    tail_repr = jnp.take_along_axis(node_repr, idx_t, axis=1)
    triple_repr = jnp.concatenate((head_repr, rel_repr, tail_repr), axis=-1)
    return triple_repr

if __name__ == "__main__":
    import jax
    _d = setup_inputs()
    print(jax.jit(kernel)(*tuple(_d.values())))

</pallas_src>

<mosaic_0001>
#map = affine_map<(d0, d1) -> (0, 0)>
#map1 = affine_map<(d0, d1) -> (0)>
module attributes {stable_mosaic.version = 14 : i64} {
  func.func @k(%arg0: i32, %arg1: i32, %arg2: memref<100000x256xf32, #tpu.memory_space<hbm>>, %arg3: memref<32768xi32, #tpu.memory_space<hbm>>, %arg4: memref<32768x256xf32, #tpu.memory_space<hbm>>, %arg5: memref<1024xi32, #tpu.memory_space<vmem>>, %arg6: memref<128xi32, #tpu.memory_space<vmem>>, %arg7: memref<128xi32, #tpu.memory_space<vmem>>, %arg8: memref<128x256xf32, #tpu.memory_space<vmem>>, %arg9: memref<128x256xf32, #tpu.memory_space<vmem>>, %arg10: memref<!tpu.dma_semaphore, #tpu.memory_space<semaphore_mem>>, %arg11: memref<!tpu.dma_semaphore, #tpu.memory_space<semaphore_mem>>, %arg12: memref<!tpu.dma_semaphore, #tpu.memory_space<semaphore_mem>>, %arg13: memref<!tpu.dma_semaphore, #tpu.memory_space<semaphore_mem>>) attributes {dimension_semantics = [#tpu.dimension_semantics<core_parallel>, #tpu.dimension_semantics<subcore_parallel>], iteration_bounds = array<i64: 2, 16>, scalar_prefetch = 0 : i64, scratch_operands = 9 : i64, tpu.core_type = #tpu.core_type<sc_vector_subcore>, window_params = [{transform_indices = #map}, {transform_indices = #map1}, {transform_indices = #map}]} {
    %mul3A = arith.constant 2 : i32
    %mul3A_0 = arith.muli %arg1, %mul3A : i32
    %add3A = arith.addi %mul3A_0, %arg0 : i32
    %mul3A_1 = arith.constant 1024 : i32
    %mul3A_2 = arith.muli %add3A, %mul3A_1 : i32
    "tpu.region"() ({
      %run_scoped3A = tpu.sem_alloc : memref<!tpu.dma_semaphore, #tpu.memory_space<semaphore_mem>>
      %dma_start3A_27 = tpu.memref_slice %arg3[%mul3A_2] : memref<32768xi32, #tpu.memory_space<hbm>> -> memref<1024xi32, #tpu.memory_space<hbm>>
      %dma_start3A_28 = tpu.memref_slice %arg3[%mul3A_2] : memref<32768xi32, #tpu.memory_space<hbm>> -> memref<1024xi32, #tpu.memory_space<hbm>>
      tpu.enqueue_dma source(%dma_start3A_28 : memref<1024xi32, #tpu.memory_space<hbm>>) target(%arg5 : memref<1024xi32, #tpu.memory_space<vmem>>) target_semaphore(%run_scoped3A : memref<!tpu.dma_semaphore, #tpu.memory_space<semaphore_mem>>)
      %dma_wait3A_29 = tpu.memref_slice %arg3[%mul3A_2] : memref<32768xi32, #tpu.memory_space<hbm>> -> memref<1024xi32, #tpu.memory_space<hbm>>
      %dma_wait3A_30 = tpu.memref_slice %arg3[%mul3A_2] : memref<32768xi32, #tpu.memory_space<hbm>> -> memref<1024xi32, #tpu.memory_space<hbm>>
      tpu.wait_dma2 semaphore(%run_scoped3A : memref<!tpu.dma_semaphore, #tpu.memory_space<semaphore_mem>>) src(%dma_wait3A_30 : memref<1024xi32, #tpu.memory_space<hbm>>) dst(%arg5 : memref<1024xi32, #tpu.memory_space<vmem>>)
      tpu.yield
    }) : () -> ()
    %scan3A = arith.constant 0 : i32
    %scan3A_3 = arith.constant 0 : i32
    %scan3A_4 = arith.constant 4 : i32
    %scan3A_5 = arith.addi %scan3A_3, %scan3A_4 : i32
    %scan3A_6 = arith.constant 1 : i32
    scf.for %scan3A_27 = %scan3A_3 to %scan3A_5 step %scan3A_6  : i32 {
      %mul3A_28 = arith.constant 2 : i32
      %mul3A_29 = arith.muli %mul3A_28, %scan3A_27 : i32
      %add3A_30 = arith.constant 0 : i32
      %add3A_31 = arith.addi %mul3A_29, %add3A_30 : i32
      %ge3A = arith.constant 2 : i32
      %ge3A_32 = arith.cmpi sge, %add3A_31, %ge3A : i32
      %convert_element_type3A = arith.extui %ge3A_32 : i1 to i32
      %cond3A = arith.constant 0 : i32
      %cond3A_33 = arith.cmpi ne, %convert_element_type3A, %cond3A : i32
      scf.if %cond3A_33 {
        %dma_wait3A_233 = arith.constant 0 : i32
        %dma_wait3A_234 = arith.constant 0 : i32
        %dma_wait3A_235 = tpu.memref_slice %arg4[%dma_wait3A_233, %dma_wait3A_234] : memref<32768x256xf32, #tpu.memory_space<hbm>> -> memref<128x256xf32, #tpu.memory_space<hbm>>
        %dma_wait3A_236 = arith.constant 0 : i32
        %dma_wait3A_237 = arith.constant 0 : i32
        %dma_wait3A_238 = tpu.memref_slice %arg4[%dma_wait3A_236, %dma_wait3A_237] : memref<32768x256xf32, #tpu.memory_space<hbm>> -> memref<128x256xf32, #tpu.memory_space<hbm>>
        tpu.wait_dma2 semaphore(%arg12 : memref<!tpu.dma_semaphore, #tpu.memory_space<semaphore_mem>>) src(%arg8 : memref<128x256xf32, #tpu.memory_space<vmem>>) dst(%dma_wait3A_238 : memref<128x256xf32, #tpu.memory_space<hbm>>)
      } else {
      }
      %mul3A_34 = arith.constant 128 : i32
      %mul3A_35 = arith.muli %add3A_31, %mul3A_34 : i32
      %add3A_36 = arith.constant 0 : i32
      %add3A_37 = arith.addi %mul3A_35, %add3A_36 : i32
      %get3A = arith.index_cast %add3A_37 : i32 to index
      %get3A_38 = tpu.vector_load %arg5[%get3A] {strides = array<i32>} : memref<1024xi32, #tpu.memory_space<vmem>>, vector<16xi32>,
      %get3A_39 = vector.shape_cast %get3A_38 : vector<16xi32> to vector<16xi32>
      %swap3A = arith.constant 0 : index
      %swap3A_40 = tpu.vector_load %arg6[%swap3A] {strides = array<i32>} : memref<128xi32, #tpu.memory_space<vmem>>, vector<16xi32>,
      %swap3A_41 = vector.shape_cast %swap3A_40 : vector<16xi32> to vector<16xi32>
      %swap3A_42 = vector.shape_cast %get3A_39 : vector<16xi32> to vector<16xi32>
      tpu.vector_store %arg6[%swap3A], %swap3A_42 {strides = array<i32>} : memref<128xi32, #tpu.memory_space<vmem>>, vector<16xi32>,
      %mul3A_43 = arith.constant 128 : i32
      %mul3A_44 = arith.muli %add3A_31, %mul3A_43 : i32
      %add3A_45 = arith.constant 16 : i32
      %add3A_46 = arith.addi %mul3A_44, %add3A_45 : i32
      %get3A_47 = arith.index_cast %add3A_46 : i32 to index
      %get3A_48 = tpu.vector_load %arg5[%get3A_47] {strides = array<i32>} : memref<1024xi32, #tpu.memory_space<vmem>>, vector<16xi32>,
      %get3A_49 = vector.shape_cast %get3A_48 : vector<16xi32> to vector<16xi32>
      %swap3A_50 = arith.constant 16 : index
      %swap3A_51 = tpu.vector_load %arg6[%swap3A_50] {strides = array<i32>} : memref<128xi32, #tpu.memory_space<vmem>>, vector<16xi32>,
      %swap3A_52 = vector.shape_cast %swap3A_51 : vector<16xi32> to vector<16xi32>
      %swap3A_53 = vector.shape_cast %get3A_49 : vector<16xi32> to vector<16xi32>
      tpu.vector_store %arg6[%swap3A_50], %swap3A_53 {strides = array<i32>} : memref<128xi32, #tpu.memory_space<vmem>>, vector<16xi32>,
      %mul3A_54 = arith.constant 128 : i32
      %mul3A_55 = arith.muli %add3A_31, %mul3A_54 : i32
      %add3A_56 = arith.constant 32 : i32
      %add3A_57 = arith.addi %mul3A_55, %add3A_56 : i32
      %get3A_58 = arith.index_cast %add3A_57 : i32 to index
      %get3A_59 = tpu.vector_load %arg5[%get3A_58] {strides = array<i32>} : memref<1024xi32, #tpu.memory_space<vmem>>, vector<16xi32>,
      %get3A_60 = vector.shape_cast %get3A_59 : vector<16xi32> to vector<16xi32>
      %swap3A_61 = arith.constant 32 : index
      %swap3A_62 = tpu.vector_load %arg6[%swap3A_61] {strides = array<i32>} : memref<128xi32, #tpu.memory_space<vmem>>, vector<16xi32>,
      %swap3A_63 = vector.shape_cast %swap3A_62 : vector<16xi32> to vector<16xi32>
      %swap3A_64 = vector.shape_cast %get3A_60 : vector<16xi32> to vector<16xi32>
      tpu.vector_store %arg6[%swap3A_61], %swap3A_64 {strides = array<i32>} : memref<128xi32, #tpu.memory_space<vmem>>, vector<16xi32>,
      %mul3A_65 = arith.constant 128 : i32
      %mul3A_66 = arith.muli %add3A_31, %mul3A_65 : i32
      %add3A_67 = arith.constant 48 : i32
      %add3A_68 = arith.addi %mul3A_66, %add3A_67 : i32
      %get3A_69 = arith.index_cast %add3A_68 : i32 to index
      %get3A_70 = tpu.vector_load %arg5[%get3A_69] {strides = array<i32>} : memref<1024xi32, #tpu.memory_space<vmem>>, vector<16xi32>,
      %get3A_71 = vector.shape_cast %get3A_70 : vector<16xi32> to vector<16xi32>
      %swap3A_72 = arith.constant 48 : index
      %swap3A_73 = tpu.vector_load %arg6[%swap3A_72] {strides = array<i32>} : memref<128xi32, #tpu.memory_space<vmem>>, vector<16xi32>,
      %swap3A_74 = vector.shape_cast %swap3A_73 : vector<16xi32> to vector<16xi32>
      %swap3A_75 = vector.shape_cast %get3A_71 : vector<16xi32> to vector<16xi32>
      tpu.vector_store %arg6[%swap3A_72], %swap3A_75 {strides = array<i32>} : memref<128xi32, #tpu.memory_space<vmem>>, vector<16xi32>,
      %mul3A_76 = arith.constant 128 : i32
      %mul3A_77 = arith.muli %add3A_31, %mul3A_76 : i32
      %add3A_78 = arith.constant 64 : i32
      %add3A_79 = arith.addi %mul3A_77, %add3A_78 : i32
      %get3A_80 = arith.index_cast %add3A_79 : i32 to index
      %get3A_81 = tpu.vector_load %arg5[%get3A_80] {strides = array<i32>} : memref<1024xi32, #tpu.memory_space<vmem>>, vector<16xi32>,
      %get3A_82 = vector.shape_cast %get3A_81 : vector<16xi32> to vector<16xi32>
      %swap3A_83 = arith.constant 64 : index
      %swap3A_84 = tpu.vector_load %arg6[%swap3A_83] {strides = array<i32>} : memref<128xi32, #tpu.memory_space<vmem>>, vector<16xi32>,
      %swap3A_85 = vector.shape_cast %swap3A_84 : vector<16xi32> to vector<16xi32>
      %swap3A_86 = vector.shape_cast %get3A_82 : vector<16xi32> to vector<16xi32>
      tpu.vector_store %arg6[%swap3A_83], %swap3A_86 {strides = array<i32>} : memref<128xi32, #tpu.memory_space<vmem>>, vector<16xi32>,
      %mul3A_87 = arith.constant 128 : i32
      %mul3A_88 = arith.muli %add3A_31, %mul3A_87 : i32
      %add3A_89 = arith.constant 80 : i32
      %add3A_90 = arith.addi %mul3A_88, %add3A_89 : i32
      %get3A_91 = arith.index_cast %add3A_90 : i32 to index
      %get3A_92 = tpu.vector_load %arg5[%get3A_91] {strides = array<i32>} : memref<1024xi32, #tpu.memory_space<vmem>>, vector<16xi32>,
      %get3A_93 = vector.shape_cast %get3A_92 : vector<16xi32> to vector<16xi32>
      %swap3A_94 = arith.constant 80 : index
      %swap3A_95 = tpu.vector_load %arg6[%swap3A_94] {strides = array<i32>} : memref<128xi32, #tpu.memory_space<vmem>>, vector<16xi32>,
      %swap3A_96 = vector.shape_cast %swap3A_95 : vector<16xi32> to vector<16xi32>
      %swap3A_97 = vector.shape_cast %get3A_93 : vector<16xi32> to vector<16xi32>
      tpu.vector_store %arg6[%swap3A_94], %swap3A_97 {strides = array<i32>} : memref<128xi32, #tpu.memory_space<vmem>>, vector<16xi32>,
      %mul3A_98 = arith.constant 128 : i32
      %mul3A_99 = arith.muli %add3A_31, %mul3A_98 : i32
      %add3A_100 = arith.constant 96 : i32
      %add3A_101 = arith.addi %mul3A_99, %add3A_100 : i32
      %get3A_102 = arith.index_cast %add3A_101 : i32 to index
      %get3A_103 = tpu.vector_load %arg5[%get3A_102] {strides = array<i32>} : memref<1024xi32, #tpu.memory_space<vmem>>, vector<16xi32>,
      %get3A_104 = vector.shape_cast %get3A_103 : vector<16xi32> to vector<16xi32>
      %swap3A_105 = arith.constant 96 : index
      %swap3A_106 = tpu.vector_load %arg6[%swap3A_105] {strides = array<i32>} : memref<128xi32, #tpu.memory_space<vmem>>, vector<16xi32>,
      %swap3A_107 = vector.shape_cast %swap3A_106 : vector<16xi32> to vector<16xi32>
      %swap3A_108 = vector.shape_cast %get3A_104 : vector<16xi32> to vector<16xi32>
      tpu.vector_store %arg6[%swap3A_105], %swap3A_108 {strides = array<i32>} : memref<128xi32, #tpu.memory_space<vmem>>, vector<16xi32>,
      %mul3A_109 = arith.constant 128 : i32
      %mul3A_110 = arith.muli %add3A_31, %mul3A_109 : i32
      %add3A_111 = arith.constant 112 : i32
      %add3A_112 = arith.addi %mul3A_110, %add3A_111 : i32
      %get3A_113 = arith.index_cast %add3A_112 : i32 to index
      %get3A_114 = tpu.vector_load %arg5[%get3A_113] {strides = array<i32>} : memref<1024xi32, #tpu.memory_space<vmem>>, vector<16xi32>,
      %get3A_115 = vector.shape_cast %get3A_114 : vector<16xi32> to vector<16xi32>
      %swap3A_116 = arith.constant 112 : index
      %swap3A_117 = tpu.vector_load %arg6[%swap3A_116] {strides = array<i32>} : memref<128xi32, #tpu.memory_space<vmem>>, vector<16xi32>,
      %swap3A_118 = vector.shape_cast %swap3A_117 : vector<16xi32> to vector<16xi32>
      %swap3A_119 = vector.shape_cast %get3A_115 : vector<16xi32> to vector<16xi32>
      tpu.vector_store %arg6[%swap3A_116], %swap3A_119 {strides = array<i32>} : memref<128xi32, #tpu.memory_space<vmem>>, vector<16xi32>,
      %dma_start3A_120 = arith.constant 0 : i32
      %dma_start3A_121 = arith.constant 0 : i32
      %dma_start3A_122 = tpu.memref_slice %arg2[%dma_start3A_120, %dma_start3A_121] : memref<100000x256xf32, #tpu.memory_space<hbm>> -> memref<100000x256xf32, #tpu.memory_space<hbm>>
      tpu.enqueue_indirect_dma source(%dma_start3A_122 : memref<100000x256xf32, #tpu.memory_space<hbm>>) target(%arg8 : memref<128x256xf32, #tpu.memory_space<vmem>>) offsets(%arg6 : memref<128xi32, #tpu.memory_space<vmem>>) semaphore(%arg10 : memref<!tpu.dma_semaphore, #tpu.memory_space<semaphore_mem>>)
      %ge3A_123 = arith.constant 1 : i32
      %ge3A_124 = arith.cmpi sge, %add3A_31, %ge3A_123 : i32
      %convert_element_type3A_125 = arith.extui %ge3A_124 : i1 to i32
      %cond3A_126 = arith.constant 0 : i32
      %cond3A_127 = arith.cmpi ne, %convert_element_type3A_125, %cond3A_126 : i32
      scf.if %cond3A_127 {
        %sub3A = arith.constant 1 : i32
        %sub3A_233 = arith.subi %add3A_31, %sub3A : i32
        %dma_wait3A_234 = arith.constant 0 : i32
        %dma_wait3A_235 = arith.constant 0 : i32
        %dma_wait3A_236 = tpu.memref_slice %arg2[%dma_wait3A_234, %dma_wait3A_235] : memref<100000x256xf32, #tpu.memory_space<hbm>> -> memref<100000x256xf32, #tpu.memory_space<hbm>>
        tpu.wait_indirect_dma semaphore(%arg11 : memref<!tpu.dma_semaphore, #tpu.memory_space<semaphore_mem>>) src(%dma_wait3A_236 : memref<100000x256xf32, #tpu.memory_space<hbm>>) dst(%arg9 : memref<128x256xf32, #tpu.memory_space<vmem>>)
        %mul3A_237 = arith.constant 128 : i32
        %mul3A_238 = arith.muli %sub3A_233, %mul3A_237 : i32
        %add3A_239 = arith.addi %mul3A_2, %mul3A_238 : i32
        %dma_start3A_240 = arith.constant 0 : i32
        %dma_start3A_241 = tpu.memref_slice %arg4[%add3A_239, %dma_start3A_240] : memref<32768x256xf32, #tpu.memory_space<hbm>> -> memref<128x256xf32, #tpu.memory_space<hbm>>
        %dma_start3A_242 = arith.constant 0 : i32
        %dma_start3A_243 = tpu.memref_slice %arg4[%add3A_239, %dma_start3A_242] : memref<32768x256xf32, #tpu.memory_space<hbm>> -> memref<128x256xf32, #tpu.memory_space<hbm>>
        tpu.enqueue_dma source(%arg9 : memref<128x256xf32, #tpu.memory_space<vmem>>) target(%dma_start3A_243 : memref<128x256xf32, #tpu.memory_space<hbm>>) target_semaphore(%arg13 : memref<!tpu.dma_semaphore, #tpu.memory_space<semaphore_mem>>)
      } else {
      }
      %mul3A_128 = arith.constant 2 : i32
      %mul3A_129 = arith.muli %mul3A_128, %scan3A_27 : i32
      %add3A_130 = arith.constant 1 : i32
      %add3A_131 = arith.addi %mul3A_129, %add3A_130 : i32
      %ge3A_132 = arith.constant 2 : i32
      %ge3A_133 = arith.cmpi sge, %add3A_131, %ge3A_132 : i32
      %convert_element_type3A_134 = arith.extui %ge3A_133 : i1 to i32
      %cond3A_135 = arith.constant 0 : i32
      %cond3A_136 = arith.cmpi ne, %convert_element_type3A_134, %cond3A_135 : i32
      scf.if %cond3A_136 {
        %dma_wait3A_233 = arith.constant 0 : i32
        %dma_wait3A_234 = arith.constant 0 : i32
        %dma_wait3A_235 = tpu.memref_slice %arg4[%dma_wait3A_233, %dma_wait3A_234] : memref<32768x256xf32, #tpu.memory_space<hbm>> -> memref<128x256xf32, #tpu.memory_space<hbm>>
        %dma_wait3A_236 = arith.constant 0 : i32
        %dma_wait3A_237 = arith.constant 0 : i32
        %dma_wait3A_238 = tpu.memref_slice %arg4[%dma_wait3A_236, %dma_wait3A_237] : memref<32768x256xf32, #tpu.memory_space<hbm>> -> memref<128x256xf32, #tpu.memory_space<hbm>>
        tpu.wait_dma2 semaphore(%arg13 : memref<!tpu.dma_semaphore, #tpu.memory_space<semaphore_mem>>) src(%arg9 : memref<128x256xf32, #tpu.memory_space<vmem>>) dst(%dma_wait3A_238 : memref<128x256xf32, #tpu.memory_space<hbm>>)
      } else {
      }
      %mul3A_137 = arith.constant 128 : i32
      %mul3A_138 = arith.muli %add3A_131, %mul3A_137 : i32
      %add3A_139 = arith.constant 0 : i32
      %add3A_140 = arith.addi %mul3A_138, %add3A_139 : i32
      %get3A_141 = arith.index_cast %add3A_140 : i32 to index
      %get3A_142 = tpu.vector_load %arg5[%get3A_141] {strides = array<i32>} : memref<1024xi32, #tpu.memory_space<vmem>>, vector<16xi32>,
      %get3A_143 = vector.shape_cast %get3A_142 : vector<16xi32> to vector<16xi32>
      %swap3A_144 = arith.constant 0 : index
      %swap3A_145 = tpu.vector_load %arg7[%swap3A_144] {strides = array<i32>} : memref<128xi32, #tpu.memory_space<vmem>>, vector<16xi32>,
      %swap3A_146 = vector.shape_cast %swap3A_145 : vector<16xi32> to vector<16xi32>
      %swap3A_147 = vector.shape_cast %get3A_143 : vector<16xi32> to vector<16xi32>
      tpu.vector_store %arg7[%swap3A_144], %swap3A_147 {strides = array<i32>} : memref<128xi32, #tpu.memory_space<vmem>>, vector<16xi32>,
      %mul3A_148 = arith.constant 128 : i32
      %mul3A_149 = arith.muli %add3A_131, %mul3A_148 : i32
      %add3A_150 = arith.constant 16 : i32
      %add3A_151 = arith.addi %mul3A_149, %add3A_150 : i32
      %get3A_152 = arith.index_cast %add3A_151 : i32 to index
      %get3A_153 = tpu.vector_load %arg5[%get3A_152] {strides = array<i32>} : memref<1024xi32, #tpu.memory_space<vmem>>, vector<16xi32>,
      %get3A_154 = vector.shape_cast %get3A_153 : vector<16xi32> to vector<16xi32>
      %swap3A_155 = arith.constant 16 : index
      %swap3A_156 = tpu.vector_load %arg7[%swap3A_155] {strides = array<i32>} : memref<128xi32, #tpu.memory_space<vmem>>, vector<16xi32>,
      %swap3A_157 = vector.shape_cast %swap3A_156 : vector<16xi32> to vector<16xi32>
      %swap3A_158 = vector.shape_cast %get3A_154 : vector<16xi32> to vector<16xi32>
      tpu.vector_store %arg7[%swap3A_155], %swap3A_158 {strides = array<i32>} : memref<128xi32, #tpu.memory_space<vmem>>, vector<16xi32>,
      %mul3A_159 = arith.constant 128 : i32
      %mul3A_160 = arith.muli %add3A_131, %mul3A_159 : i32
      %add3A_161 = arith.constant 32 : i32
      %add3A_162 = arith.addi %mul3A_160, %add3A_161 : i32
      %get3A_163 = arith.index_cast %add3A_162 : i32 to index
      %get3A_164 = tpu.vector_load %arg5[%get3A_163] {strides = array<i32>} : memref<1024xi32, #tpu.memory_space<vmem>>, vector<16xi32>,
      %get3A_165 = vector.shape_cast %get3A_164 : vector<16xi32> to vector<16xi32>
      %swap3A_166 = arith.constant 32 : index
      %swap3A_167 = tpu.vector_load %arg7[%swap3A_166] {strides = array<i32>} : memref<128xi32, #tpu.memory_space<vmem>>, vector<16xi32>,
      %swap3A_168 = vector.shape_cast %swap3A_167 : vector<16xi32> to vector<16xi32>
      %swap3A_169 = vector.shape_cast %get3A_165 : vector<16xi32> to vector<16xi32>
      tpu.vector_store %arg7[%swap3A_166], %swap3A_169 {strides = array<i32>} : memref<128xi32, #tpu.memory_space<vmem>>, vector<16xi32>,
      %mul3A_170 = arith.constant 128 : i32
      %mul3A_171 = arith.muli %add3A_131, %mul3A_170 : i32
      %add3A_172 = arith.constant 48 : i32
      %add3A_173 = arith.addi %mul3A_171, %add3A_172 : i32
      %get3A_174 = arith.index_cast %add3A_173 : i32 to index
      %get3A_175 = tpu.vector_load %arg5[%get3A_174] {strides = array<i32>} : memref<1024xi32, #tpu.memory_space<vmem>>, vector<16xi32>,
      %get3A_176 = vector.shape_cast %get3A_175 : vector<16xi32> to vector<16xi32>
      %swap3A_177 = arith.constant 48 : index
      %swap3A_178 = tpu.vector_load %arg7[%swap3A_177] {strides = array<i32>} : memref<128xi32, #tpu.memory_space<vmem>>, vector<16xi32>,
      %swap3A_179 = vector.shape_cast %swap3A_178 : vector<16xi32> to vector<16xi32>
      %swap3A_180 = vector.shape_cast %get3A_176 : vector<16xi32> to vector<16xi32>
      tpu.vector_store %arg7[%swap3A_177], %swap3A_180 {strides = array<i32>} : memref<128xi32, #tpu.memory_space<vmem>>, vector<16xi32>,
      %mul3A_181 = arith.constant 128 : i32
      %mul3A_182 = arith.muli %add3A_131, %mul3A_181 : i32
      %add3A_183 = arith.constant 64 : i32
      %add3A_184 = arith.addi %mul3A_182, %add3A_183 : i32
      %get3A_185 = arith.index_cast %add3A_184 : i32 to index
      %get3A_186 = tpu.vector_load %arg5[%get3A_185] {strides = array<i32>} : memref<1024xi32, #tpu.memory_space<vmem>>, vector<16xi32>,
      %get3A_187 = vector.shape_cast %get3A_186 : vector<16xi32> to vector<16xi32>
      %swap3A_188 = arith.constant 64 : index
      %swap3A_189 = tpu.vector_load %arg7[%swap3A_188] {strides = array<i32>} : memref<128xi32, #tpu.memory_space<vmem>>, vector<16xi32>,
      %swap3A_190 = vector.shape_cast %swap3A_189 : vector<16xi32> to vector<16xi32>
      %swap3A_191 = vector.shape_cast %get3A_187 : vector<16xi32> to vector<16xi32>
      tpu.vector_store %arg7[%swap3A_188], %swap3A_191 {strides = array<i32>} : memref<128xi32, #tpu.memory_space<vmem>>, vector<16xi32>,
      %mul3A_192 = arith.constant 128 : i32
      %mul3A_193 = arith.muli %add3A_131, %mul3A_192 : i32
      %add3A_194 = arith.constant 80 : i32
      %add3A_195 = arith.addi %mul3A_193, %add3A_194 : i32
      %get3A_196 = arith.index_cast %add3A_195 : i32 to index
      %get3A_197 = tpu.vector_load %arg5[%get3A_196] {strides = array<i32>} : memref<1024xi32, #tpu.memory_space<vmem>>, vector<16xi32>,
      %get3A_198 = vector.shape_cast %get3A_197 : vector<16xi32> to vector<16xi32>
      %swap3A_199 = arith.constant 80 : index
      %swap3A_200 = tpu.vector_load %arg7[%swap3A_199] {strides = array<i32>} : memref<128xi32, #tpu.memory_space<vmem>>, vector<16xi32>,
      %swap3A_201 = vector.shape_cast %swap3A_200 : vector<16xi32> to vector<16xi32>
      %swap3A_202 = vector.shape_cast %get3A_198 : vector<16xi32> to vector<16xi32>
      tpu.vector_store %arg7[%swap3A_199], %swap3A_202 {strides = array<i32>} : memref<128xi32, #tpu.memory_space<vmem>>, vector<16xi32>,
      %mul3A_203 = arith.constant 128 : i32
      %mul3A_204 = arith.muli %add3A_131, %mul3A_203 : i32
      %add3A_205 = arith.constant 96 : i32
      %add3A_206 = arith.addi %mul3A_204, %add3A_205 : i32
      %get3A_207 = arith.index_cast %add3A_206 : i32 to index
      %get3A_208 = tpu.vector_load %arg5[%get3A_207] {strides = array<i32>} : memref<1024xi32, #tpu.memory_space<vmem>>, vector<16xi32>,
      %get3A_209 = vector.shape_cast %get3A_208 : vector<16xi32> to vector<16xi32>
      %swap3A_210 = arith.constant 96 : index
      %swap3A_211 = tpu.vector_load %arg7[%swap3A_210] {strides = array<i32>} : memref<128xi32, #tpu.memory_space<vmem>>, vector<16xi32>,
      %swap3A_212 = vector.shape_cast %swap3A_211 : vector<16xi32> to vector<16xi32>
      %swap3A_213 = vector.shape_cast %get3A_209 : vector<16xi32> to vector<16xi32>
      tpu.vector_store %arg7[%swap3A_210], %swap3A_213 {strides = array<i32>} : memref<128xi32, #tpu.memory_space<vmem>>, vector<16xi32>,
      %mul3A_214 = arith.constant 128 : i32
      %mul3A_215 = arith.muli %add3A_131, %mul3A_214 : i32
      %add3A_216 = arith.constant 112 : i32
      %add3A_217 = arith.addi %mul3A_215, %add3A_216 : i32
      %get3A_218 = arith.index_cast %add3A_217 : i32 to index
      %get3A_219 = tpu.vector_load %arg5[%get3A_218] {strides = array<i32>} : memref<1024xi32, #tpu.memory_space<vmem>>, vector<16xi32>,
      %get3A_220 = vector.shape_cast %get3A_219 : vector<16xi32> to vector<16xi32>
      %swap3A_221 = arith.constant 112 : index
      %swap3A_222 = tpu.vector_load %arg7[%swap3A_221] {strides = array<i32>} : memref<128xi32, #tpu.memory_space<vmem>>, vector<16xi32>,
      %swap3A_223 = vector.shape_cast %swap3A_222 : vector<16xi32> to vector<16xi32>
      %swap3A_224 = vector.shape_cast %get3A_220 : vector<16xi32> to vector<16xi32>
      tpu.vector_store %arg7[%swap3A_221], %swap3A_224 {strides = array<i32>} : memref<128xi32, #tpu.memory_space<vmem>>, vector<16xi32>,
      %dma_start3A_225 = arith.constant 0 : i32
      %dma_start3A_226 = arith.constant 0 : i32
      %dma_start3A_227 = tpu.memref_slice %arg2[%dma_start3A_225, %dma_start3A_226] : memref<100000x256xf32, #tpu.memory_space<hbm>> -> memref<100000x256xf32, #tpu.memory_space<hbm>>
      tpu.enqueue_indirect_dma source(%dma_start3A_227 : memref<100000x256xf32, #tpu.memory_space<hbm>>) target(%arg9 : memref<128x256xf32, #tpu.memory_space<vmem>>) offsets(%arg7 : memref<128xi32, #tpu.memory_space<vmem>>) semaphore(%arg11 : memref<!tpu.dma_semaphore, #tpu.memory_space<semaphore_mem>>)
      %ge3A_228 = arith.constant 1 : i32
      %ge3A_229 = arith.cmpi sge, %add3A_131, %ge3A_228 : i32
      %convert_element_type3A_230 = arith.extui %ge3A_229 : i1 to i32
      %cond3A_231 = arith.constant 0 : i32
      %cond3A_232 = arith.cmpi ne, %convert_element_type3A_230, %cond3A_231 : i32
      scf.if %cond3A_232 {
        %sub3A = arith.constant 1 : i32
        %sub3A_233 = arith.subi %add3A_131, %sub3A : i32
        %dma_wait3A_234 = arith.constant 0 : i32
        %dma_wait3A_235 = arith.constant 0 : i32
        %dma_wait3A_236 = tpu.memref_slice %arg2[%dma_wait3A_234, %dma_wait3A_235] : memref<100000x256xf32, #tpu.memory_space<hbm>> -> memref<100000x256xf32, #tpu.memory_space<hbm>>
        tpu.wait_indirect_dma semaphore(%arg10 : memref<!tpu.dma_semaphore, #tpu.memory_space<semaphore_mem>>) src(%dma_wait3A_236 : memref<100000x256xf32, #tpu.memory_space<hbm>>) dst(%arg8 : memref<128x256xf32, #tpu.memory_space<vmem>>)
        %mul3A_237 = arith.constant 128 : i32
        %mul3A_238 = arith.muli %sub3A_233, %mul3A_237 : i32
        %add3A_239 = arith.addi %mul3A_2, %mul3A_238 : i32
        %dma_start3A_240 = arith.constant 0 : i32
        %dma_start3A_241 = tpu.memref_slice %arg4[%add3A_239, %dma_start3A_240] : memref<32768x256xf32, #tpu.memory_space<hbm>> -> memref<128x256xf32, #tpu.memory_space<hbm>>
        %dma_start3A_242 = arith.constant 0 : i32
        %dma_start3A_243 = tpu.memref_slice %arg4[%add3A_239, %dma_start3A_242] : memref<32768x256xf32, #tpu.memory_space<hbm>> -> memref<128x256xf32, #tpu.memory_space<hbm>>
        tpu.enqueue_dma source(%arg8 : memref<128x256xf32, #tpu.memory_space<vmem>>) target(%dma_start3A_243 : memref<128x256xf32, #tpu.memory_space<hbm>>) target_semaphore(%arg12 : memref<!tpu.dma_semaphore, #tpu.memory_space<semaphore_mem>>)
      } else {
      }
    }
    %scan3A_7 = arith.constant 4 : i32
    %dma_wait3A = arith.constant 0 : i32
    %dma_wait3A_8 = arith.constant 0 : i32
    %dma_wait3A_9 = tpu.memref_slice %arg2[%dma_wait3A, %dma_wait3A_8] : memref<100000x256xf32, #tpu.memory_space<hbm>> -> memref<100000x256xf32, #tpu.memory_space<hbm>>
    tpu.wait_indirect_dma semaphore(%arg11 : memref<!tpu.dma_semaphore, #tpu.memory_space<semaphore_mem>>) src(%dma_wait3A_9 : memref<100000x256xf32, #tpu.memory_space<hbm>>) dst(%arg9 : memref<128x256xf32, #tpu.memory_space<vmem>>)
    %add3A_10 = arith.constant 896 : i32
    %add3A_11 = arith.addi %mul3A_2, %add3A_10 : i32
    %dma_start3A = arith.constant 0 : i32
    %dma_start3A_12 = tpu.memref_slice %arg4[%add3A_11, %dma_start3A] : memref<32768x256xf32, #tpu.memory_space<hbm>> -> memref<128x256xf32, #tpu.memory_space<hbm>>
    %dma_start3A_13 = arith.constant 0 : i32
    %dma_start3A_14 = tpu.memref_slice %arg4[%add3A_11, %dma_start3A_13] : memref<32768x256xf32, #tpu.memory_space<hbm>> -> memref<128x256xf32, #tpu.memory_space<hbm>>
    tpu.enqueue_dma source(%arg9 : memref<128x256xf32, #tpu.memory_space<vmem>>) target(%dma_start3A_14 : memref<128x256xf32, #tpu.memory_space<hbm>>) target_semaphore(%arg13 : memref<!tpu.dma_semaphore, #tpu.memory_space<semaphore_mem>>)
    %dma_wait3A_15 = arith.constant 0 : i32
    %dma_wait3A_16 = arith.constant 0 : i32
    %dma_wait3A_17 = tpu.memref_slice %arg4[%dma_wait3A_15, %dma_wait3A_16] : memref<32768x256xf32, #tpu.memory_space<hbm>> -> memref<128x256xf32, #tpu.memory_space<hbm>>
    %dma_wait3A_18 = arith.constant 0 : i32
    %dma_wait3A_19 = arith.constant 0 : i32
    %dma_wait3A_20 = tpu.memref_slice %arg4[%dma_wait3A_18, %dma_wait3A_19] : memref<32768x256xf32, #tpu.memory_space<hbm>> -> memref<128x256xf32, #tpu.memory_space<hbm>>
    tpu.wait_dma2 semaphore(%arg12 : memref<!tpu.dma_semaphore, #tpu.memory_space<semaphore_mem>>) src(%arg8 : memref<128x256xf32, #tpu.memory_space<vmem>>) dst(%dma_wait3A_20 : memref<128x256xf32, #tpu.memory_space<hbm>>)
    %dma_wait3A_21 = arith.constant 0 : i32
    %dma_wait3A_22 = arith.constant 0 : i32
    %dma_wait3A_23 = tpu.memref_slice %arg4[%dma_wait3A_21, %dma_wait3A_22] : memref<32768x256xf32, #tpu.memory_space<hbm>> -> memref<128x256xf32, #tpu.memory_space<hbm>>
    %dma_wait3A_24 = arith.constant 0 : i32
    %dma_wait3A_25 = arith.constant 0 : i32
    %dma_wait3A_26 = tpu.memref_slice %arg4[%dma_wait3A_24, %dma_wait3A_25] : memref<32768x256xf32, #tpu.memory_space<hbm>> -> memref<128x256xf32, #tpu.memory_space<hbm>>
    tpu.wait_dma2 semaphore(%arg13 : memref<!tpu.dma_semaphore, #tpu.memory_space<semaphore_mem>>) src(%arg9 : memref<128x256xf32, #tpu.memory_space<vmem>>) dst(%dma_wait3A_26 : memref<128x256xf32, #tpu.memory_space<hbm>>)
    return
  }
}

module attributes {stable_mosaic.version = 14 : i64} {
  func.func @body(%arg0: i32, %arg1: memref<1x512x256xf32, #tpu.memory_space<vmem>>, %arg2: memref<1x1x1024xi32, #tpu.memory_space<vmem>>, %arg3: memref<1x1x1024xi32, #tpu.memory_space<vmem>>, %arg4: memref<1x1x1024xi32, #tpu.memory_space<vmem>>, %arg5: memref<40x256xf32, #tpu.memory_space<vmem>>, %arg6: memref<256x256xbf16, #tpu.memory_space<vmem>>, %arg7: memref<256x256xbf16, #tpu.memory_space<vmem>>, %arg8: memref<256x256xf32, #tpu.memory_space<vmem>>, %arg9: memref<1x1024x768xf32, #tpu.memory_space<vmem>>) attributes {dimension_semantics = [#tpu.dimension_semantics<arbitrary>], iteration_bounds = array<i64: 64>, scalar_prefetch = 0 : i64, scratch_operands = 0 : i64, tpu.core_type = #tpu.core_type<tc>, window_params = [{transform_indices = @transform_0, window_bounds = array<i64: 1, 512, 256>}, {transform_indices = @transform_1, window_bounds = array<i64: 1, 1, 1024>}, {transform_indices = @transform_2, window_bounds = array<i64: 1, 1, 1024>}, {transform_indices = @transform_3, window_bounds = array<i64: 1, 1, 1024>}, {pipeline_mode = #tpu.pipeline_mode<synchronous>, transform_indices = @transform_4, window_bounds = array<i64: 40, 256>}, {pipeline_mode = #tpu.pipeline_mode<synchronous>, transform_indices = @transform_5, window_bounds = array<i64: 256, 256>}, {pipeline_mode = #tpu.pipeline_mode<synchronous>, transform_indices = @transform_6, window_bounds = array<i64: 256, 256>}, {pipeline_mode = #tpu.pipeline_mode<synchronous>, transform_indices = @transform_7, window_bounds = array<i64: 256, 256>}, {transform_indices = @transform_8, window_bounds = array<i64: 1, 1024, 768>}]} {
    %get3A = arith.constant 0 : index
    %get3A_0 = arith.constant 0 : index
    %get3A_1 = arith.constant 0 : index
    %get3A_2 = vector.load %arg1[%get3A, %get3A_0, %get3A_1] : memref<1x512x256xf32, #tpu.memory_space<vmem>>, vector<1x512x256xf32>
    %get3A_3 = vector.shape_cast %get3A_2 : vector<1x512x256xf32> to vector<512x256xf32>
    %convert_element_type3A = arith.truncf %get3A_3 : vector<512x256xf32> to vector<512x256xbf16>
    %iota3A = tpu.iota {dimensions = array<i32: 0>} : vector<512x1024xi32>
    %get3A_4 = arith.constant 0 : index
    %get3A_5 = arith.constant 0 : index
    %get3A_6 = arith.constant 0 : index
    %get3A_7 = vector.load %arg2[%get3A_4, %get3A_5, %get3A_6] : memref<1x1x1024xi32, #tpu.memory_space<vmem>>, vector<1x1x1024xi32>
    %get3A_8 = vector.shape_cast %get3A_7 : vector<1x1x1024xi32> to vector<1x1024xi32>
    %eq3A = vector.broadcast %get3A_8 : vector<1x1024xi32> to vector<512x1024xi32>
    %eq3A_9 = arith.cmpi eq, %iota3A, %eq3A : vector<512x1024xi32>
    %convert_element_type3A_10 = arith.extui %eq3A_9 : vector<512x1024xi1> to vector<512x1024xi32>
    %convert_element_type3A_11 = arith.sitofp %convert_element_type3A_10 : vector<512x1024xi32> to vector<512x1024xf32>
    %convert_element_type3A_12 = arith.truncf %convert_element_type3A_11 : vector<512x1024xf32> to vector<512x1024xbf16>
    %get3A_13 = arith.constant 0 : index
    %get3A_14 = arith.constant 0 : index
    %get3A_15 = arith.constant 0 : index
    %get3A_16 = vector.load %arg3[%get3A_13, %get3A_14, %get3A_15] : memref<1x1x1024xi32, #tpu.memory_space<vmem>>, vector<1x1x1024xi32>
    %get3A_17 = vector.shape_cast %get3A_16 : vector<1x1x1024xi32> to vector<1x1024xi32>
    %eq3A_18 = vector.broadcast %get3A_17 : vector<1x1024xi32> to vector<512x1024xi32>
    %eq3A_19 = arith.cmpi eq, %iota3A, %eq3A_18 : vector<512x1024xi32>
    %convert_element_type3A_20 = arith.extui %eq3A_19 : vector<512x1024xi1> to vector<512x1024xi32>
    %convert_element_type3A_21 = arith.sitofp %convert_element_type3A_20 : vector<512x1024xi32> to vector<512x1024xf32>
    %convert_element_type3A_22 = arith.truncf %convert_element_type3A_21 : vector<512x1024xf32> to vector<512x1024xbf16>
    %dot_general3A = arith.constant dense<0.000000e+00> : vector<512x512xf32>
    %dot_general3A_23 = tpu.matmul %convert_element_type3A_22, %convert_element_type3A_12, %dot_general3A {dimension_numbers = #tpu.dot_dimension_numbers<[1], [1], [0], [0], [0, 0, 1, 0], [], []>, transpose_lhs_hint = false} : vector<512x1024xbf16>, vector<512x1024xbf16>, vector<512x512xf32> -> vector<512x512xf32>
    %dot_general3A_24 = arith.constant dense<0.000000e+00> : vector<512x512xf32>
    %dot_general3A_25 = tpu.matmul %convert_element_type3A_12, %convert_element_type3A_22, %dot_general3A_24 {dimension_numbers = #tpu.dot_dimension_numbers<[1], [1], [0], [0], [0, 0, 1, 0], [], []>, transpose_lhs_hint = false} : vector<512x1024xbf16>, vector<512x1024xbf16>, vector<512x512xf32> -> vector<512x512xf32>
    %add3A = arith.addf %dot_general3A_23, %dot_general3A_25 : vector<512x512xf32>
    %reduce_sum3A = arith.constant dense<0.000000e+00> : vector<512xf32>
    %reduce_sum3A_26 = vector.multi_reduction <add>, %add3A, %reduce_sum3A [1] : vector<512x512xf32> to vector<512xf32>
    %broadcast_in_dim3A = vector.shape_cast %reduce_sum3A_26 : vector<512xf32> to vector<512x1xf32>
    %convert_element_type3A_27 = arith.truncf %add3A : vector<512x512xf32> to vector<512x512xbf16>
    %dot_general3A_28 = arith.constant dense<0.000000e+00> : vector<512x256xf32>
    %dot_general3A_29 = tpu.matmul %convert_element_type3A_27, %convert_element_type3A, %dot_general3A_28 {dimension_numbers = #tpu.dot_dimension_numbers<[1], [0], [0], [1], [0, 0, 1, 1], [], []>, transpose_lhs_hint = false} : vector<512x512xbf16>, vector<512x256xbf16>, vector<512x256xf32> -> vector<512x256xf32>
    %max3A = arith.constant 1.000000e+00 : f32
    %max3A_30 = vector.broadcast %max3A : f32 to vector<512x1xf32>
    %max3A_31 = arith.maximumf %broadcast_in_dim3A, %max3A_30 : vector<512x1xf32>
    %div3A = arith.constant 1.000000e+00 : f32
    %div3A_32 = vector.broadcast %div3A : f32 to vector<512x1xf32>
    %div3A_33 = arith.divf %div3A_32, %max3A_31 : vector<512x1xf32>
    %get3A_34 = arith.constant 0 : index
    %get3A_35 = arith.constant 0 : index
    %get3A_36 = vector.load %arg6[%get3A_34, %get3A_35] : memref<256x256xbf16, #tpu.memory_space<vmem>>, vector<256x256xbf16>
    %dot_general3A_37 = arith.constant dense<0.000000e+00> : vector<512x256xf32>
    %dot_general3A_38 = tpu.matmul %convert_element_type3A, %get3A_36, %dot_general3A_37 {dimension_numbers = #tpu.dot_dimension_numbers<[1], [1], [0], [0], [0, 0, 1, 0], [], []>, transpose_lhs_hint = false} : vector<512x256xbf16>, vector<256x256xbf16>, vector<512x256xf32> -> vector<512x256xf32>
    %mul3A = vector.broadcast %div3A_33 : vector<512x1xf32> to vector<512x256xf32>
    %mul3A_39 = arith.mulf %dot_general3A_29, %mul3A : vector<512x256xf32>
    %convert_element_type3A_40 = arith.truncf %mul3A_39 : vector<512x256xf32> to vector<512x256xbf16>
    %get3A_41 = arith.constant 0 : index
    %get3A_42 = arith.constant 0 : index
    %get3A_43 = vector.load %arg7[%get3A_41, %get3A_42] : memref<256x256xbf16, #tpu.memory_space<vmem>>, vector<256x256xbf16>
    %dot_general3A_44 = arith.constant dense<0.000000e+00> : vector<512x256xf32>
    %dot_general3A_45 = tpu.matmul %convert_element_type3A_40, %get3A_43, %dot_general3A_44 {dimension_numbers = #tpu.dot_dimension_numbers<[1], [1], [0], [0], [0, 0, 1, 0], [], []>, transpose_lhs_hint = false} : vector<512x256xbf16>, vector<256x256xbf16>, vector<512x256xf32> -> vector<512x256xf32>
    %add3A_46 = arith.addf %dot_general3A_38, %dot_general3A_45 : vector<512x256xf32>
    %max3A_47 = arith.constant 0.000000e+00 : f32
    %max3A_48 = vector.broadcast %max3A_47 : f32 to vector<512x256xf32>
    %max3A_49 = arith.maximumf %add3A_46, %max3A_48 : vector<512x256xf32>
    %convert_element_type3A_50 = arith.truncf %max3A_49 : vector<512x256xf32> to vector<512x256xbf16>
    %get3A_51 = arith.constant 0 : index
    %get3A_52 = arith.constant 0 : index
    %get3A_53 = vector.load %arg5[%get3A_51, %get3A_52] : memref<40x256xf32, #tpu.memory_space<vmem>>, vector<40x256xf32>
    %get3A_54 = arith.constant 0 : index
    %get3A_55 = arith.constant 0 : index
    %get3A_56 = vector.load %arg8[%get3A_54, %get3A_55] : memref<256x256xf32, #tpu.memory_space<vmem>>, vector<256x256xf32>
    %dot_general3A_57 = arith.constant dense<0.000000e+00> : vector<40x256xf32>
    %dot_general3A_58 = tpu.matmul %get3A_53, %get3A_56, %dot_general3A_57 {dimension_numbers = #tpu.dot_dimension_numbers<[1], [1], [0], [0], [0, 0, 1, 0], [], []>, transpose_lhs_hint = false} : vector<40x256xf32>, vector<256x256xf32>, vector<40x256xf32> -> vector<40x256xf32>
    %convert_element_type3A_59 = arith.truncf %dot_general3A_58 : vector<40x256xf32> to vector<40x256xbf16>
    %iota3A_60 = tpu.iota {dimensions = array<i32: 0>} : vector<40x1024xi32>
    %get3A_61 = arith.constant 0 : index
    %get3A_62 = arith.constant 0 : index
    %get3A_63 = arith.constant 0 : index
    %get3A_64 = vector.load %arg4[%get3A_61, %get3A_62, %get3A_63] : memref<1x1x1024xi32, #tpu.memory_space<vmem>>, vector<1x1x1024xi32>
    %get3A_65 = vector.shape_cast %get3A_64 : vector<1x1x1024xi32> to vector<1x1024xi32>
    %eq3A_66 = vector.broadcast %get3A_65 : vector<1x1024xi32> to vector<40x1024xi32>
    %eq3A_67 = arith.cmpi eq, %iota3A_60, %eq3A_66 : vector<40x1024xi32>
    %convert_element_type3A_68 = arith.extui %eq3A_67 : vector<40x1024xi1> to vector<40x1024xi32>
    %convert_element_type3A_69 = arith.sitofp %convert_element_type3A_68 : vector<40x1024xi32> to vector<40x1024xf32>
    %convert_element_type3A_70 = arith.truncf %convert_element_type3A_69 : vector<40x1024xf32> to vector<40x1024xbf16>
    %dot_general3A_71 = arith.constant dense<0.000000e+00> : vector<1024x256xf32>
    %dot_general3A_72 = tpu.matmul %convert_element_type3A_12, %convert_element_type3A_50, %dot_general3A_71 {dimension_numbers = #tpu.dot_dimension_numbers<[0], [0], [1], [1], [0, 1, 1, 1], [], []>, transpose_lhs_hint = false} : vector<512x1024xbf16>, vector<512x256xbf16>, vector<1024x256xf32> -> vector<1024x256xf32>
    %swap3A = arith.constant 0 : index
    %swap3A_73 = arith.constant 0 : index
    %swap3A_74 = arith.constant 0 : index
    %swap3A_75 = vector.load %arg9[%swap3A, %swap3A_73, %swap3A_74] : memref<1x1024x768xf32, #tpu.memory_space<vmem>>, vector<1x1024x256xf32>
    %swap3A_76 = vector.shape_cast %swap3A_75 : vector<1x1024x256xf32> to vector<1024x256xf32>
    %swap3A_77 = vector.shape_cast %dot_general3A_72 : vector<1024x256xf32> to vector<1x1024x256xf32>
    tpu.vector_store %arg9[%swap3A, %swap3A_73, %swap3A_74], %swap3A_77 {strides = array<i32>} : memref<1x1024x768xf32, #tpu.memory_space<vmem>>, vector<1x1024x256xf32>,
    %dot_general3A_78 = arith.constant dense<0.000000e+00> : vector<1024x256xf32>
    %dot_general3A_79 = tpu.matmul %convert_element_type3A_70, %convert_element_type3A_59, %dot_general3A_78 {dimension_numbers = #tpu.dot_dimension_numbers<[0], [0], [1], [1], [0, 1, 1, 1], [], []>, transpose_lhs_hint = false} : vector<40x1024xbf16>, vector<40x256xbf16>, vector<1024x256xf32> -> vector<1024x256xf32>
    %swap3A_80 = arith.constant 0 : index
    %swap3A_81 = arith.constant 0 : index
    %swap3A_82 = arith.constant 256 : index
    %swap3A_83 = vector.load %arg9[%swap3A_80, %swap3A_81, %swap3A_82] : memref<1x1024x768xf32, #tpu.memory_space<vmem>>, vector<1x1024x256xf32>
    %swap3A_84 = vector.shape_cast %swap3A_83 : vector<1x1024x256xf32> to vector<1024x256xf32>
    %swap3A_85 = vector.shape_cast %dot_general3A_79 : vector<1024x256xf32> to vector<1x1024x256xf32>
    tpu.vector_store %arg9[%swap3A_80, %swap3A_81, %swap3A_82], %swap3A_85 {strides = array<i32>} : memref<1x1024x768xf32, #tpu.memory_space<vmem>>, vector<1x1024x256xf32>,
    %dot_general3A_86 = arith.constant dense<0.000000e+00> : vector<1024x256xf32>
    %dot_general3A_87 = tpu.matmul %convert_element_type3A_22, %convert_element_type3A_50, %dot_general3A_86 {dimension_numbers = #tpu.dot_dimension_numbers<[0], [0], [1], [1], [0, 1, 1, 1], [], []>, transpose_lhs_hint = false} : vector<512x1024xbf16>, vector<512x256xbf16>, vector<1024x256xf32> -> vector<1024x256xf32>
    %swap3A_88 = arith.constant 0 : index
    %swap3A_89 = arith.constant 0 : index
    %swap3A_90 = arith.constant 512 : index
    %swap3A_91 = vector.load %arg9[%swap3A_88, %swap3A_89, %swap3A_90] : memref<1x1024x768xf32, #tpu.memory_space<vmem>>, vector<1x1024x256xf32>
    %swap3A_92 = vector.shape_cast %swap3A_91 : vector<1x1024x256xf32> to vector<1024x256xf32>
    %swap3A_93 = vector.shape_cast %dot_general3A_87 : vector<1024x256xf32> to vector<1x1024x256xf32>
    tpu.vector_store %arg9[%swap3A_88, %swap3A_89, %swap3A_90], %swap3A_93 {strides = array<i32>} : memref<1x1024x768xf32, #tpu.memory_space<vmem>>, vector<1x1024x256xf32>,
    return
  }
  func.func @transform_0(%arg0: i32) -> (i32, i32, i32) {
    %c0_i32 = arith.constant 0 : i32
    %c0_i32_0 = arith.constant 0 : i32
    %c0_i32_1 = arith.constant 0 : i32
    return %arg0, %c0_i32, %c0_i32_0 : i32, i32, i32
  }
  func.func @transform_1(%arg0: i32) -> (i32, i32, i32) {
    %c0_i32 = arith.constant 0 : i32
    %c0_i32_0 = arith.constant 0 : i32
    %c0_i32_1 = arith.constant 0 : i32
    return %arg0, %c0_i32, %c0_i32_0 : i32, i32, i32
  }
  func.func @transform_2(%arg0: i32) -> (i32, i32, i32) {
    %c0_i32 = arith.constant 0 : i32
    %c0_i32_0 = arith.constant 0 : i32
    %c0_i32_1 = arith.constant 0 : i32
    return %arg0, %c0_i32, %c0_i32_0 : i32, i32, i32
  }
  func.func @transform_3(%arg0: i32) -> (i32, i32, i32) {
    %c0_i32 = arith.constant 0 : i32
    %c0_i32_0 = arith.constant 0 : i32
    %c0_i32_1 = arith.constant 0 : i32
    return %arg0, %c0_i32, %c0_i32_0 : i32, i32, i32
  }
  func.func @transform_4(%arg0: i32) -> (i32, i32) {
    %c0_i32 = arith.constant 0 : i32
    %c0_i32_0 = arith.constant 0 : i32
    %c0_i32_1 = arith.constant 0 : i32
    return %c0_i32, %c0_i32_0 : i32, i32
  }
  func.func @transform_5(%arg0: i32) -> (i32, i32) {
    %c0_i32 = arith.constant 0 : i32
    %c0_i32_0 = arith.constant 0 : i32
    %c0_i32_1 = arith.constant 0 : i32
    return %c0_i32, %c0_i32_0 : i32, i32
  }
  func.func @transform_6(%arg0: i32) -> (i32, i32) {
    %c0_i32 = arith.constant 0 : i32
    %c0_i32_0 = arith.constant 0 : i32
    %c0_i32_1 = arith.constant 0 : i32
    return %c0_i32, %c0_i32_0 : i32, i32
  }
  func.func @transform_7(%arg0: i32) -> (i32, i32) {
    %c0_i32 = arith.constant 0 : i32
    %c0_i32_0 = arith.constant 0 : i32
    %c0_i32_1 = arith.constant 0 : i32
    return %c0_i32, %c0_i32_0 : i32, i32
  }
  func.func @transform_8(%arg0: i32) -> (i32, i32, i32) {
    %c0_i32 = arith.constant 0 : i32
    %c0_i32_0 = arith.constant 0 : i32
    %c0_i32_1 = arith.constant 0 : i32
    return %arg0, %c0_i32, %c0_i32_0 : i32, i32, i32
  }
}

</mosaic_0001>

<sc_bundles>
// kernel: kernel.4.cloned.1.call-start
scs
__scs_entry_jumppad:
0x0: {  	(pc) =	sbr.rel $0x88, $3  }
0x1: {  	(tag) =	ssettag $0x0;
	lr =	simm.s32 $0x1  }
0x2: {  	[smem:$0x3F98] =	sst lr;
	_ =	strace $0xD0000000  }
0x3: {  	_ = 	snop  }
0x4: {  	_ = 	snop  }
0x5: {  	_ = 	snop  }
0x6: {  	_ = 	snop  }
0x7: {  	_ = 	snop  }
__scs_overlays_trampoline_lowered:
0x8: {  	[smem:$0x3FA7] =	sst s0  }
0x9: {  	[smem:$0x3FA8] =	sst s1  }
0xa: {  	[smem:$0x3FA9] =	sst s2  }
0xb: {  	[smem:$0x3FAA] =	sst s3  }
0xc: {  	[smem:$0x3FAB] =	sst s4  }
0xd: {  	[smem:$0x3FAC] =	sst s5  }
0xe: {  	[smem:$0x3FAD] =	sst s6  }
0xf: {  	[smem:$0x3FAE] =	sst s7  }
0x10: {  	[smem:$0x3FAF] =	sst s8  }
0x11: {  	[smem:$0x3FB0] =	sst s9;
	s0 =	simm.s32 @!p0 $0x0  }
0x12: {  	s1 =	sld [smem:$0x3F96];
	s0 =	simm.s32 @p0 $0x1  }
0x13: {  	[smem:$0x3FB1] =	sst s0;
	s0 =	simm.s32 @!p1 $0x0  }
0x14: {  	s2 =	sld [smem:$0x3F95];
	s0 =	simm.s32 @p1 $0x1  }
0x15: {  	[smem:$0x3FB2] =	sst s0;
	s0 =	simm.s32 @!p2 $0x0  }
0x16: {  	s3 =	sld [smem:$0x3FDB];
	s0 =	simm.s32 @p2 $0x1  }
0x17: {  	s4 =	simm.s32 $0x1BF5;
	[smem:$0x3FB4] =	sst s0  }
0x18: {  	s0 =	sld [smem:$0x3F97];
	_ =	swait.ge [sflag:s4], $0x0  }
0x19: {  	s7 =	sld [smem:$0x3F98]  }
0x1a: {  	s8 =	sadd.s32 $0xFFFFE003, lr  }
0x1b: {  	s9 =	sadd.s32 $0xFFFFFEF7, lr;
	s5 =	simm.s32 $0xFFFFFFFF;
	p2 =	slt.u32 s8, $0xFFFFF086  }
0x1c: {  	p1 =	slt.u32 s9, $0xF7A;
	s5 =	simm.s32 @!p2 $0x0  }
0x1d: {  	s5 =	simm.s32 @p1 $0x1;
	p0 =	seq.s32 s7, s2  }
0x1e: {  	s7 =	smul.u32 @!p0 $0xF7A, s2;
	p2 =	seq.s32 @!p0 s5, $0x0  }
0x1f: {  	s9 =	smul.u32 $0xF7A, s1;
	s8 =	simm.s32 @!p0 $0x1BF5;
	p2 =	por !p2, p0  }
0x20: {  	[sflag:s8] =	ssyncset.s32 @!p0 $0xFFFFF086;
	s6 =	sadd.s32 @!p0 s3, s7;
	s7 =	simm.s32 @!p0 $0x108  }
0x21: {  	s3 =	sadd.s32 s3, s9;
	s6 =	sadd.s32 @!p0 $0x88, s6;
	s7 =	simm.s32 @p2 $0x1082  }
0x22: {  	[simem:s7], [sflag:s8] =	dma.local @!p0 [hbm:s6], $0xF7A  }
0x23: {  	s9 =	sor.u32 $0xD0000000, s2;
	s6 =	simm.s32 $0x108;
	_ =	swait.ge @!p0 [sflag:s8], $0x0  }
0x24: {  	s3 =	sadd.s32 $0x88, s3;
	s6 =	simm.s32 @!p1 $0x1082;
	[sflag:s4] =	ssyncset.s32 $0xFFFFF086  }
0x25: {  	[simem:s6], [sflag:s4] =	dma.local [hbm:s3], $0xF7A  }
0x26: {  	[smem:$0x3F98] =	sst s1;
	(tag) =	ssettag s2;
	_ =	strace s9  }
0x27: {  	s1 =	sld [smem:$0x3FA8]  }
0x28: {  	s2 =	sld [smem:$0x3FA9]  }
0x29: {  	s4 =	sld [smem:$0x3FAB]  }
0x2a: {  	p0 =	seq.s32 s5, $0x0;
	s5 =	sld [smem:$0x3FAC]  }
0x2b: {  	s6 =	sld [smem:$0x3FAD]  }
0x2c: {  	s7 =	sld [smem:$0x3FAE]  }
0x2d: {  	s3 =	simm.s32 $0x108;
	s8 =	sld [smem:$0x3FAF]  }
0x2e: {  	s3 =	simm.s32 @!p0 $0x1082;
	s9 =	sld [smem:$0x3FB0]  }
0x2f: {  	lr =	sadd.s32 s0, s3;
	s0 =	sld [smem:$0x3FA7]  }
0x30: {  	s3 =	sld [smem:$0x3FAA]  }
0x31: {  	[smem:$0x3FB3] =	sst s10  }
0x32: {  	s10 =	sld [smem:$0x3FB1];
	_ =	sdelay $0x3  }
0x33: {  	p0 =	seq.s32 s10, $0x1;
	s10 =	sld [smem:$0x3FB3];
	_ =	sdelay $0x3  }
0x34: {  	[smem:$0x3FB3] =	sst s10  }
0x35: {  	s10 =	sld [smem:$0x3FB2];
	_ =	sdelay $0x3  }
0x36: {  	p1 =	seq.s32 s10, $0x1;
	s10 =	sld [smem:$0x3FB3];
	_ =	sdelay $0x3  }
0x37: {  	[smem:$0x3FB3] =	sst s10  }
0x38: {  	s10 =	sld [smem:$0x3FB4]  }
0x39: {  	_ = 	snop;
	(pc) =	sbr.ind lr, $3  }
0x3a: {  	_ = 	snop  }
0x3b: {  	_ = 	snop  }
0x3c: {  	p2 =	seq.s32 s10, $0x1;
	s10 =	sld [smem:$0x3FB3]  }
0x3d: {  	_ =	shalt  }
0x3e: {  	_ =	shalt  }
0x3f: {  	_ =	shalt  }
0x40: {  	_ =	shalt  }
0x41: {  	_ =	shalt  }
0x42: {  	_ =	shalt  }
0x43: {  	_ =	shalt  }
0x44: {  	_ =	shalt  }
0x45: {  	_ =	shalt  }
0x46: {  	_ =	shalt  }
0x47: {  	_ =	shalt  }
0x48: {  	_ =	shalt  }
0x49: {  	_ =	shalt  }
0x4a: {  	_ =	shalt  }
0x4b: {  	_ =	shalt  }
0x4c: {  	_ =	shalt  }
0x4d: {  	_ =	shalt  }
0x4e: {  	_ =	shalt  }
0x4f: {  	_ =	shalt  }
0x50: {  	_ =	shalt  }
0x51: {  	_ =	shalt  }
0x52: {  	_ =	shalt  }
0x53: {  	_ =	shalt  }
0x54: {  	_ =	shalt  }
0x55: {  	_ =	shalt  }
0x56: {  	_ =	shalt  }
0x57: {  	_ =	shalt  }
0x58: {  	_ =	shalt  }
0x59: {  	_ =	shalt  }
0x5a: {  	_ =	shalt  }
0x5b: {  	_ =	shalt  }
0x5c: {  	_ =	shalt  }
0x5d: {  	_ =	shalt  }
0x5e: {  	_ =	shalt  }
0x5f: {  	_ =	shalt  }
0x60: {  	_ =	shalt  }
0x61: {  	_ =	shalt  }
0x62: {  	_ =	shalt  }
0x63: {  	_ =	shalt  }
0x64: {  	_ =	shalt  }
0x65: {  	_ =	shalt  }
0x66: {  	_ =	shalt  }
0x67: {  	_ =	shalt  }
0x68: {  	_ =	shalt  }
0x69: {  	_ =	shalt  }
0x6a: {  	_ =	shalt  }
0x6b: {  	_ =	shalt  }
0x6c: {  	_ =	shalt  }
0x6d: {  	_ =	shalt  }
0x6e: {  	_ =	shalt  }
0x6f: {  	_ =	shalt  }
0x70: {  	_ =	shalt  }
0x71: {  	_ =	shalt  }
0x72: {  	_ =	shalt  }
0x73: {  	_ =	shalt  }
0x74: {  	_ =	shalt  }
0x75: {  	_ =	shalt  }
0x76: {  	_ =	shalt  }
0x77: {  	_ =	shalt  }
0x78: {  	_ =	shalt  }
0x79: {  	_ =	shalt  }
0x7a: {  	_ =	shalt  }
0x7b: {  	_ =	shalt  }
0x7c: {  	_ =	shalt  }
0x7d: {  	_ =	shalt  }
0x7e: {  	_ =	shalt  }
0x7f: {  	_ =	shalt  }
0x80: {  	_ =	shalt  }
0x81: {  	_ =	shalt  }
0x82: {  	_ =	shalt  }
0x83: {  	_ =	shalt  }
0x84: {  	_ =	shalt  }
0x85: {  	_ =	shalt  }
0x86: {  	_ =	shalt  }
0x87: {  	_ =	shalt  }
.Lfunc_end0:
.L_simem_size_0:
called_computation_lowered:
.L_overlay_start_0:
0x88: {  	s2 =	sld [smem:$0x3FD9]  }
0x89: {  	s3 =	sld [smem:$0x3FFE];
	_ =	sdelay $0x1  }
0x8a: {  	s1 =	srdreg.scid  }
0x8b: {  	s0 =	sand.u32 $0x1, s1  }
0x8c: {  	s17 =	sshll.u32 s0, $0xA;
	s2 =	sadd.s32 s3, s2  }
0x8d: {  	s2 =	sadd.s32 s2, s17  }
0x8e: {  	[smem:$0x3FBF] =	sst s2  }
0x8f: {  	_ = 	snop  }
0x90: {  	s2 =	sld [smem:$0x3FC5]  }
0x91: {  	s18 =	sld [smem:$0x3FD0];
	(tm) =	ssettm $0x1  }
0x92: {  	s4 =	sld [smem:$0x3FFB];
	_ =	sdelay $0x3  }
0x93: {  	_ =	strace s4  }
0x94: {  	s4 =	sld [smem:$0x3FFC];
	_ =	sdelay $0x3  }
0x95: {  	_ =	strace s4  }
0x96: {  	s4 =	sld [smem:$0x3FFD];
	_ =	sdelay $0x3  }
0x97: {  	_ =	strace s4  }
0x98: {  	_ =	strace $0x8FFFFFFF  }
0x99: {  	s19 =	sld [smem:$0x3FDB];
	_ =	sdelay $0x1  }
0x9a: {  	s5 =	simm.s32 $_scs_section_size  }
0x9b: {  	s6 =	simm.s32 $_size__tile_overlayer_lowered;
	s7 =	simm.s32 $_tile_overlayer_lowered  }
0x9c: {  	s22 =	simm.s32 $0x1BFF;
	s21 =	sshll.u32 s7, $0x1;
	s4 =	sadd.s32 s5, s19  }
0x9d: {  	s8 =	simm.s32 $0x0;
	s20 =	sshll.u32 s6, $0x1;
	s6 =	sadd.s32 s21, s4  }
0x9e: {  	[timem:s8], [sflag:s22] =	dma.local [hbm:s6], s20  }
0x9f: {  	_ =	swait.ge [sflag:s22], s20  }
0xa0: {  	s5 =	ssub.s32 $0x0, s20;
	[sflag:s22] =	ssyncset.done $0x0  }
0xa1: {  	[sflag:s22] =	ssyncadd.s32 s5;
	_ =	sdelay $0x1  }
0xa2: {  	s23 =	simm.s32 $0x1B8B  }
0xa3: {  	_ =	swait.ge [sflag:s23], $0x1  }
0xa4: {  	[sflag:s23] =	ssyncset.done $0x0  }
0xa5: {  	s25 =	simm.s32 $0x1B8E;
	s24 =	sld [smem:$0x3FFE];
	[sflag:s23] =	ssyncadd.s32 $0xFFFFFFFF  }
0xa6: {  	s26 =	simm.s32 $execute0_lowered;
	[smem:$0x3FD2] =	sst s25  }
0xa7: {  	s6 =	sshll.u32 s26, $0x1;
	_ =	strace $0x80000046;
	[dreg:$0x1] =	wrdreg $0xFFFFFFFF  }
0xa8: {  	s28 =	simm.s32 $_size_execute0_lowered;
	s4 =	sadd.s32 s4, s6;
	[dreg:$0x0] =	wrdreg $0x0  }
0xa9: {  	s6 =	sshll.u32 s28, $0x1;
	[dreg:$0x2] =	wrdreg s4  }
0xaa: {  	[dreg:$0x3] =	wrdreg s6  }
0xab: {  	[dreg:$0x4] =	wrdreg $0xC0  }
0xac: {  	_ =	task [dreg:s8], $0x5FFFF  }
0xad: {  	[dreg:$0x1] =	wrdreg $0xFFFFFFFF  }
0xae: {  	[dreg:$0x0] =	wrdreg $0x60  }
0xaf: {  	[dreg:$0x2] =	wrdreg s2  }
0xb0: {  	[dreg:$0x3] =	wrdreg s18  }
0xb1: {  	[dreg:$0x4] =	wrdreg s24  }
0xb2: {  	[dreg:$0x5] =	wrdreg $0x9  }
0xb3: {  	_ =	task.clear_ibuf [dreg:s8], $0x6FFFF;
	_ =	strace $0x90000046  }
0xb4: {  	s29 =	simm.s32 $0x9;
	_ =	strace $0x80000048  }
0xb5: {  	_ =	swait.ge [sflag:s29], $0x1  }
0xb6: {  	[sflag:s29] =	ssyncadd.s32 $0xFFFFFFFF  }
0xb7: {  	_ =	strace $0x90000048  }
0xb8: {  	_ =	sfence  }
0xb9: {  	s30 =	sld [smem:$0x0];
	_ =	sdelay $0x2  }
0xba: {  	s31 =	sshll.u32 s1, $0xD;
	s1 =	sshrl.u32 s1, $0x2  }
0xbb: {  	s3 =	sand.u32 $0x4000, s31;
	s1 =	sadd.s32 s1, s30  }
0xbc: {  	s0 =	sor.u32 s3, s0;
	s1 =	sshll.u32 s1, $0x11  }
0xbd: {  	s0 =	sor.u32 s1, s0  }
0xbe: {  	s0 =	sadd.s32 $0x8F2B, s0  }
0xbf: {  	[sflag:s0] =	ssyncadd.remote.s32 $0x1  }
0xc0: {  	_ =	sfence.sel $0xFFFF  }
0xc1: {  	[dreg:$0x0] =	wrdreg $0xFFFFFFFF;
	(pc) =	sbr.abs _section_cstart, $3  }
0xc2: {  	[dreg:$0x1] =	wrdreg $0xFFFFFFFF  }
0xc3: {  	_ =	task.clear_ibuf [dreg:s8], $0x2FFFF;
	_ =	strace $0x9FFFFFFF  }
0xc4: {  	(tm) =	ssettm $0x7FFFFFFF  }
0xc5: {  	_ =	shalt  }
tec
execute0_lowered:
.L_overlay_start_1:
0x0: {  	(tag) =	ssettag $0x1  }
0x1: {  	s1 =	rddreg [dreg:$0x0]  }
0x2: {  	s0 =	rddreg [dreg:$0x1]  }
0x3: {  	s3 =	rddreg [dreg:$0x2];
	s2 =	simm.s32 $0x0  }
0x4: {  	s4 =	srdreg.scid;
	s10 =	stileid.u32;
	s6 =	simm.s32 $0xD00  }
0x5: {  	s11 =	simm.s32 $0x1D00;
	s13 =	simm.s32 $0x2500;
	[smem:$0x7FF] =	sst s2  }
0x6: {  	s14 =	simm.s32 $0x2D00;
	_ =	strace $0x80000047;
	[dreg:$0x4] =	wrdreg s6  }
0x7: {  	s15 =	simm.s32 $0x3D00;
	s16 =	simm.s32 $0x4500;
	[dreg:$0x6] =	wrdreg s11  }
0x8: {  	s17 =	simm.s32 $0x4D00;
	s19 =	simm.s32 $0x5500;
	[dreg:$0x7] =	wrdreg s13  }
0x9: {  	s21 =	simm.s32 $0x5D00;
	s23 =	simm.s32 $0x6500;
	[dreg:$0x8] =	wrdreg s14  }
0xa: {  	s24 =	simm.s32 $0x6D00;
	s25 =	simm.s32 $0x7500;
	[dreg:$0xa] =	wrdreg s15  }
0xb: {  	s26 =	simm.s32 $0x7D00;
	s28 =	simm.s32 $0x2;
	[dreg:$0xb] =	wrdreg s16  }
0xc: {  	s29 =	simm.s32 $0x3;
	s30 =	simm.s32 $0x4;
	[dreg:$0xc] =	wrdreg s17  }
0xd: {  	s31 =	simm.s32 $0x0;
	s7 =	sand.u32 $0x1, s4;
	[dreg:$0xd] =	wrdreg s19  }
0xe: {  	s3 =	sadd.s32 $0x1000, s3;
	s9 =	sshll.u32 s10, $0xB;
	[dreg:$0xe] =	wrdreg s21  }
0xf: {  	s22 =	sshll.u32 s10, $0x10;
	s10 =	simm.s32 $0x8500;
	[dreg:$0xf] =	wrdreg s23  }
0x10: {  	s4 =	ssub.s32 $0x2, s7;
	s6 =	simm.s32 $0x1500;
	[dreg:$0x10] =	wrdreg s24  }
0x11: {  	s12 =	sshll.u32 s7, $0xA;
	s7 =	sshll.u32 s7, $0xF;
	[dreg:$0x11] =	wrdreg s25  }
0x12: {  	[dreg:$0x12] =	wrdreg s26;
	s11 =	simm.s32 $0x8D00;
	s13 =	simm.s32 $0x9D00  }
0x13: {  	s14 =	simm.s32 $0xA500;
	s15 =	simm.s32 $0xAD00;
	s16 =	simm.s32 $0xB500  }
0x14: {  	s17 =	simm.s32 $0xBD00;
	s19 =	simm.s32 $0xCD00;
	s21 =	simm.s32 $0xDD00  }
0x15: {  	s23 =	simm.s32 $0xED00;
	s24 =	simm.s32 $0xF500;
	s25 =	simm.s32 $0xFD00  }
0x16: {  	s26 =	simm.s32 $0x1;
	s5 =	sshrl.u32 s4, $0x1;
	[dreg:$0x5] =	wrdreg s6  }
0x17: {  	s8 =	ssub.s32 s4, s5;
	s5 =	sor.u32 s12, s9;
	s9 =	simm.s32 $0x3500  }
0x18: {  	s12 =	simm.s32 $0x9500;
	s6 =	sshrl.u32 s5, $0x3;
	[dreg:$0x9] =	wrdreg s9  }
0x19: {  	s5 =	sshll.u32 s5, $0x5;
	s20 =	smax.u32 s8, $0x1;
	s8 =	simm.s32 $0x5  }
0x1a: {  	s9 =	simm.s32 $0x500;
	s0 =	sadd.s32 s0, s6;
	s5 =	sadd.s32 s5, s3  }
0x1b: {  	v2 =	vlaneseq.u32;
	[dreg:$0x15] =	wrdreg s20;
	s3 =	sadd.s32 s22, s3;
	s20 =	simm.s32 $0xD500  }
0x1c: {  	vm0 =	vmmov $0xffff;
	v1 =	vshrl.u32 v2, $0x3;
	s22 =	simm.s32 $0xE500;
	[dreg:$0x13] =	wrdreg s0;
	s18 =	sadd.s32 $0x7000, s5  }
0x1d: {  	v0 =	vand.u32 $0x7, v2;
	v2 =	vor.u32 $0x8, v2;
	v1 =	vmul.u32 $0x8, v1;
	s0 =	sadd.s32 s7, s3;
	[dreg:$0x14] =	wrdreg s18;
	s18 =	simm.s32 $0xC500  }
.LBB2_1:
0x1e: {  	s3 =	rddreg [dreg:$0x13]  }
0x1f: {  	[tilespmem:s2], [sflag:$0x5] =	stream.linear.gather [hbm4b:s3+s2], $0x400, $0x38;
	[tilespmem:$0x10500] =	vst v63  }
0x20: {  	_ =	swait.ge [sflag:s8], $0x400  }
0x21: {  	[sflag:s8] =	ssyncset.done $0x0  }
0x22: {  	s7 =	smov.u32 s0;
	s3 =	simm.s32 $0x200;
	[sflag:s8] =	ssyncadd.s32 $0xFFFFFC00  }
.LBB2_2:
0x23: {  	p0 =	seq.s32 s3, $0x200  }
0x24: {  	s4 =	simm.s32 @!p0 $0x3  }
0x25: {  	_ =	swait.ge @!p0 [sflag:s4], $0x8000  }
0x26: {  	[sflag:s4] =	ssyncset.done @!p0 $0x0  }
0x27: {  	s6 =	sshra.s32 s3, $0x2;
	[sflag:s4] =	ssyncadd.s32 @!p0 $0xFFFF8000  }
0x28: {  	v3 =	vld [tilespmem:s6+$0xFFFFFF80];
	_ =	sdelay $0x4  }
0x29: {  	[tilespmem:$0x400] =	vst v3  }
0x2a: {  	v4 =	vld [tilespmem:s6+$0xFFFFFF90];
	_ =	sdelay $0x4  }
0x2b: {  	[tilespmem:$0x410] =	vst v4  }
0x2c: {  	v4 =	vld [tilespmem:s6+$0xFFFFFFA0];
	_ =	sdelay $0x4  }
0x2d: {  	[tilespmem:$0x420] =	vst v4  }
0x2e: {  	v4 =	vld [tilespmem:s6+$0xFFFFFFB0];
	_ =	sdelay $0x4  }
0x2f: {  	[tilespmem:$0x430] =	vst v4  }
0x30: {  	v4 =	vld [tilespmem:s6+$0xFFFFFFC0];
	_ =	sdelay $0x4  }
0x31: {  	[tilespmem:$0x440] =	vst v4  }
0x32: {  	v4 =	vld [tilespmem:s6+$0xFFFFFFD0];
	_ =	sdelay $0x4  }
0x33: {  	[tilespmem:$0x450] =	vst v4  }
0x34: {  	v4 =	vld [tilespmem:s6+$0xFFFFFFE0];
	_ =	sdelay $0x1  }
0x35: {  	v5 =	vshll.u32 v3, $0x1  }
0x36: {  	v3 =	vand.u32 $0x7, v3;
	v5 =	vand.u32 $0xFFFFFFF0, v5  }
0x37: {  	v3 =	vor.u32 v3, v5  }
0x38: {  	v44 =	vperm.xlane v3, v0;
	[tilespmem:$0x460] =	vst v4  }
0x39: {  	v45 =	vld [tilespmem:s6+$0xFFFFFFF0]  }
0x3a: {  	v3 =	vperm.xlane v3, v2;
	v4 =	vadd.s32 v1, v44;
	_ =	sdelay $0x1  }
0x3b: {  	v3 =	vadd.s32 v1, v3;
	_ =	sdelay $0x1  }
0x3c: {  	[tilespmem:$0x470] =	vst v45  }
0x3d: {  	[tilespmem:s9], [sflag:$0x1] =	stream.indirect_vreg.gather [hbm4b:s1+s2], $0x80, v4, vm0, $0xb8;
	[tilespmem:$0x10500] =	vst v63  }
0x3e: {  	s5 =	rddreg [dreg:$0x4]  }
0x3f: {  	[tilespmem:s5], [sflag:$0x1] =	stream.indirect_vreg.gather [hbm4b:s1+s2], $0x80, v3, vm0, $0xb8;
	[tilespmem:$0x10500] =	vst v63  }
0x40: {  	v3 =	vld [tilespmem:$0x410];
	_ =	sdelay $0x4  }
0x41: {  	v46 =	vshll.u32 v3, $0x1  }
0x42: {  	v3 =	vand.u32 $0x7, v3;
	v4 =	vand.u32 $0xFFFFFFF0, v46  }
0x43: {  	v3 =	vor.u32 v3, v4  }
0x44: {  	v4 =	vperm.xlane v3, v0;
	_ =	sdelay $0x1  }
0x45: {  	v3 =	vperm.xlane v3, v2;
	v4 =	vadd.s32 v1, v4;
	_ =	sdelay $0x1  }
0x46: {  	v3 =	vadd.s32 v1, v3;
	_ =	sdelay $0x1  }
0x47: {  	s6 =	rddreg [dreg:$0x5]  }
0x48: {  	[tilespmem:s6], [sflag:$0x1] =	stream.indirect_vreg.gather [hbm4b:s1+s2], $0x80, v4, vm0, $0xb8;
	[tilespmem:$0x10500] =	vst v63  }
0x49: {  	s5 =	rddreg [dreg:$0x6]  }
0x4a: {  	[tilespmem:s5], [sflag:$0x1] =	stream.indirect_vreg.gather [hbm4b:s1+s2], $0x80, v3, vm0, $0xb8;
	[tilespmem:$0x10500] =	vst v63  }
0x4b: {  	v3 =	vld [tilespmem:$0x420];
	_ =	sdelay $0x4  }
0x4c: {  	v47 =	vshll.u32 v3, $0x1  }
0x4d: {  	v3 =	vand.u32 $0x7, v3;
	v4 =	vand.u32 $0xFFFFFFF0, v47  }
0x4e: {  	v3 =	vor.u32 v3, v4  }
0x4f: {  	v4 =	vperm.xlane v3, v0;
	_ =	sdelay $0x1  }
0x50: {  	v3 =	vperm.xlane v3, v2;
	v4 =	vadd.s32 v1, v4;
	_ =	sdelay $0x1  }
0x51: {  	v3 =	vadd.s32 v1, v3;
	_ =	sdelay $0x1  }
0x52: {  	s5 =	rddreg [dreg:$0x7]  }
0x53: {  	[tilespmem:s5], [sflag:$0x1] =	stream.indirect_vreg.gather [hbm4b:s1+s2], $0x80, v4, vm0, $0xb8;
	[tilespmem:$0x10500] =	vst v63  }
0x54: {  	s6 =	rddreg [dreg:$0x8]  }
0x55: {  	[tilespmem:s6], [sflag:$0x1] =	stream.indirect_vreg.gather [hbm4b:s1+s2], $0x80, v3, vm0, $0xb8;
	[tilespmem:$0x10500] =	vst v63  }
0x56: {  	v3 =	vld [tilespmem:$0x430];
	_ =	sdelay $0x4  }
0x57: {  	v48 =	vshll.u32 v3, $0x1  }
0x58: {  	v3 =	vand.u32 $0x7, v3;
	v4 =	vand.u32 $0xFFFFFFF0, v48  }
0x59: {  	v3 =	vor.u32 v3, v4  }
0x5a: {  	v4 =	vperm.xlane v3, v0;
	_ =	sdelay $0x1  }
0x5b: {  	v3 =	vperm.xlane v3, v2;
	v4 =	vadd.s32 v1, v4;
	_ =	sdelay $0x1  }
0x5c: {  	v3 =	vadd.s32 v1, v3;
	_ =	sdelay $0x1  }
0x5d: {  	s5 =	rddreg [dreg:$0x9]  }
0x5e: {  	[tilespmem:s5], [sflag:$0x1] =	stream.indirect_vreg.gather [hbm4b:s1+s2], $0x80, v4, vm0, $0xb8;
	[tilespmem:$0x10500] =	vst v63  }
0x5f: {  	s6 =	rddreg [dreg:$0xa]  }
0x60: {  	[tilespmem:s6], [sflag:$0x1] =	stream.indirect_vreg.gather [hbm4b:s1+s2], $0x80, v3, vm0, $0xb8;
	[tilespmem:$0x10500] =	vst v63  }
0x61: {  	v3 =	vld [tilespmem:$0x440];
	_ =	sdelay $0x4  }
0x62: {  	v49 =	vshll.u32 v3, $0x1  }
0x63: {  	v3 =	vand.u32 $0x7, v3;
	v4 =	vand.u32 $0xFFFFFFF0, v49  }
0x64: {  	v3 =	vor.u32 v3, v4  }
0x65: {  	v4 =	vperm.xlane v3, v0;
	_ =	sdelay $0x1  }
0x66: {  	v3 =	vperm.xlane v3, v2;
	v4 =	vadd.s32 v1, v4;
	_ =	sdelay $0x1  }
0x67: {  	v3 =	vadd.s32 v1, v3;
	_ =	sdelay $0x1  }
0x68: {  	s5 =	rddreg [dreg:$0xb]  }
0x69: {  	[tilespmem:s5], [sflag:$0x1] =	stream.indirect_vreg.gather [hbm4b:s1+s2], $0x80, v4, vm0, $0xb8;
	[tilespmem:$0x10500] =	vst v63  }
0x6a: {  	s6 =	rddreg [dreg:$0xc]  }
0x6b: {  	[tilespmem:s6], [sflag:$0x1] =	stream.indirect_vreg.gather [hbm4b:s1+s2], $0x80, v3, vm0, $0xb8;
	[tilespmem:$0x10500] =	vst v63  }
0x6c: {  	v3 =	vld [tilespmem:$0x450];
	_ =	sdelay $0x4  }
0x6d: {  	v50 =	vshll.u32 v3, $0x1  }
0x6e: {  	v3 =	vand.u32 $0x7, v3;
	v4 =	vand.u32 $0xFFFFFFF0, v50  }
0x6f: {  	v3 =	vor.u32 v3, v4  }
0x70: {  	v4 =	vperm.xlane v3, v0;
	_ =	sdelay $0x1  }
0x71: {  	v3 =	vperm.xlane v3, v2;
	v4 =	vadd.s32 v1, v4;
	_ =	sdelay $0x1  }
0x72: {  	v3 =	vadd.s32 v1, v3;
	_ =	sdelay $0x1  }
0x73: {  	s5 =	rddreg [dreg:$0xd]  }
0x74: {  	[tilespmem:s5], [sflag:$0x1] =	stream.indirect_vreg.gather [hbm4b:s1+s2], $0x80, v4, vm0, $0xb8;
	[tilespmem:$0x10500] =	vst v63  }
0x75: {  	s6 =	rddreg [dreg:$0xe]  }
0x76: {  	[tilespmem:s6], [sflag:$0x1] =	stream.indirect_vreg.gather [hbm4b:s1+s2], $0x80, v3, vm0, $0xb8;
	[tilespmem:$0x10500] =	vst v63  }
0x77: {  	v3 =	vld [tilespmem:$0x460];
	_ =	sdelay $0x4  }
0x78: {  	v51 =	vshll.u32 v3, $0x1  }
0x79: {  	v3 =	vand.u32 $0x7, v3;
	v4 =	vand.u32 $0xFFFFFFF0, v51  }
0x7a: {  	v3 =	vor.u32 v3, v4  }
0x7b: {  	v4 =	vperm.xlane v3, v0;
	_ =	sdelay $0x1  }
0x7c: {  	v3 =	vperm.xlane v3, v2;
	v4 =	vadd.s32 v1, v4;
	_ =	sdelay $0x1  }
0x7d: {  	v3 =	vadd.s32 v1, v3;
	_ =	sdelay $0x1  }
0x7e: {  	s5 =	rddreg [dreg:$0xf]  }
0x7f: {  	[tilespmem:s5], [sflag:$0x1] =	stream.indirect_vreg.gather [hbm4b:s1+s2], $0x80, v4, vm0, $0xb8;
	[tilespmem:$0x10500] =	vst v63  }
0x80: {  	s6 =	rddreg [dreg:$0x10]  }
0x81: {  	[tilespmem:s6], [sflag:$0x1] =	stream.indirect_vreg.gather [hbm4b:s1+s2], $0x80, v3, vm0, $0xb8;
	[tilespmem:$0x10500] =	vst v63  }
0x82: {  	v3 =	vld [tilespmem:$0x470];
	_ =	sdelay $0x4  }
0x83: {  	v52 =	vshll.u32 v3, $0x1  }
0x84: {  	v3 =	vand.u32 $0x7, v3;
	v4 =	vand.u32 $0xFFFFFFF0, v52  }
0x85: {  	v3 =	vor.u32 v3, v4  }
0x86: {  	v4 =	vperm.xlane v3, v0;
	_ =	sdelay $0x1  }
0x87: {  	v3 =	vperm.xlane v3, v2;
	v4 =	vadd.s32 v1, v4;
	_ =	sdelay $0x1  }
0x88: {  	v3 =	vadd.s32 v1, v3;
	_ =	sdelay $0x1  }
0x89: {  	s5 =	rddreg [dreg:$0x11]  }
0x8a: {  	[tilespmem:s5], [sflag:$0x1] =	stream.indirect_vreg.gather [hbm4b:s1+s2], $0x80, v4, vm0, $0xb8;
	[tilespmem:$0x10500] =	vst v63  }
0x8b: {  	s4 =	simm.s32 @!p0 $0x2;
	s6 =	rddreg [dreg:$0x12]  }
0x8c: {  	[tilespmem:s6], [sflag:$0x1] =	stream.indirect_vreg.gather [hbm4b:s1+s2], $0x80, v3, vm0, $0xb8;
	[tilespmem:$0x10500] =	vst v63  }
0x8d: {  	_ =	swait.ge @!p0 [sflag:s4], $0x8000  }
0x8e: {  	s5 =	simm.s32 @!p0 $0x0;
	[sflag:s4] =	ssyncset.done @!p0 $0x0  }
0x8f: {  	s6 =	simm.s32 @!p0 $0x8500;
	[sflag:s4] =	ssyncadd.s32 @!p0 $0xFFFF8000;
	s4 =	sadd.s32 @!p0 $0xFFFFF000, s7  }
0x90: {  	[hbm4b:s4+s5] =	stream.linear.scatter @!p0 [tilespmem:s6], [sflag:$0x4], $0x8000, $0x38;
	[tilespmem:$0x10500] =	vst v63  }
0x91: {  	s4 =	simm.s32 @!p0 $0x4  }
0x92: {  	s5 =	smov.u32 s3;
	_ =	swait.ge @!p0 [sflag:s4], $0x8000  }
0x93: {  	s5 =	simm.s32 @p0 $0x200;
	[sflag:s4] =	ssyncset.done @!p0 $0x0  }
0x94: {  	s6 =	sshra.s32 s5, $0x2;
	[sflag:s4] =	ssyncadd.s32 @!p0 $0xFFFF8000  }
0x95: {  	v3 =	vld [tilespmem:s6+$0x0];
	_ =	sdelay $0x4  }
0x96: {  	[tilespmem:$0x480] =	vst v3  }
0x97: {  	v53 =	vld [tilespmem:s6+$0x10];
	_ =	sdelay $0x4  }
0x98: {  	[tilespmem:$0x490] =	vst v53  }
0x99: {  	v4 =	vld [tilespmem:s6+$0x20];
	_ =	sdelay $0x4  }
0x9a: {  	[tilespmem:$0x4A0] =	vst v4  }
0x9b: {  	v4 =	vld [tilespmem:s6+$0x30];
	_ =	sdelay $0x4  }
0x9c: {  	[tilespmem:$0x4B0] =	vst v4  }
0x9d: {  	v4 =	vld [tilespmem:s6+$0x40];
	_ =	sdelay $0x4  }
0x9e: {  	[tilespmem:$0x4C0] =	vst v4  }
0x9f: {  	v4 =	vld [tilespmem:s6+$0x50];
	_ =	sdelay $0x4  }
0xa0: {  	[tilespmem:$0x4D0] =	vst v4  }
0xa1: {  	v4 =	vld [tilespmem:s6+$0x60];
	_ =	sdelay $0x1  }
0xa2: {  	v54 =	vshll.u32 v3, $0x1  }
0xa3: {  	v3 =	vand.u32 $0x7, v3;
	v5 =	vand.u32 $0xFFFFFFF0, v54  }
0xa4: {  	v3 =	vor.u32 v3, v5  }
0xa5: {  	v55 =	vperm.xlane v3, v0;
	[tilespmem:$0x4E0] =	vst v4  }
0xa6: {  	v56 =	vld [tilespmem:s6+$0x70]  }
0xa7: {  	v3 =	vperm.xlane v3, v2;
	v4 =	vadd.s32 v1, v55;
	_ =	sdelay $0x1  }
0xa8: {  	v3 =	vadd.s32 v1, v3;
	_ =	sdelay $0x1  }
0xa9: {  	[tilespmem:$0x4F0] =	vst v56  }
0xaa: {  	[tilespmem:s10], [sflag:$0x2] =	stream.indirect_vreg.gather [hbm4b:s1+s2], $0x80, v4, vm0, $0xb8;
	[tilespmem:$0x10500] =	vst v63  }
0xab: {  	_ = 	snop  }
0xac: {  	[tilespmem:s11], [sflag:$0x2] =	stream.indirect_vreg.gather [hbm4b:s1+s2], $0x80, v3, vm0, $0xb8;
	[tilespmem:$0x10500] =	vst v63  }
0xad: {  	v3 =	vld [tilespmem:$0x490];
	_ =	sdelay $0x4  }
0xae: {  	v57 =	vshll.u32 v3, $0x1  }
0xaf: {  	v3 =	vand.u32 $0x7, v3;
	v4 =	vand.u32 $0xFFFFFFF0, v57  }
0xb0: {  	v3 =	vor.u32 v3, v4  }
0xb1: {  	v4 =	vperm.xlane v3, v0;
	_ =	sdelay $0x1  }
0xb2: {  	v3 =	vperm.xlane v3, v2;
	v4 =	vadd.s32 v1, v4;
	_ =	sdelay $0x1  }
0xb3: {  	v3 =	vadd.s32 v1, v3;
	_ =	sdelay $0x2  }
0xb4: {  	[tilespmem:s12], [sflag:$0x2] =	stream.indirect_vreg.gather [hbm4b:s1+s2], $0x80, v4, vm0, $0xb8;
	[tilespmem:$0x10500] =	vst v63  }
0xb5: {  	_ = 	snop  }
0xb6: {  	[tilespmem:s13], [sflag:$0x2] =	stream.indirect_vreg.gather [hbm4b:s1+s2], $0x80, v3, vm0, $0xb8;
	[tilespmem:$0x10500] =	vst v63  }
0xb7: {  	v3 =	vld [tilespmem:$0x4A0];
	_ =	sdelay $0x4  }
0xb8: {  	v58 =	vshll.u32 v3, $0x1  }
0xb9: {  	v3 =	vand.u32 $0x7, v3;
	v4 =	vand.u32 $0xFFFFFFF0, v58  }
0xba: {  	v3 =	vor.u32 v3, v4  }
0xbb: {  	v4 =	vperm.xlane v3, v0;
	_ =	sdelay $0x1  }
0xbc: {  	v3 =	vperm.xlane v3, v2;
	v4 =	vadd.s32 v1, v4;
	_ =	sdelay $0x1  }
0xbd: {  	v3 =	vadd.s32 v1, v3;
	_ =	sdelay $0x2  }
0xbe: {  	[tilespmem:s14], [sflag:$0x2] =	stream.indirect_vreg.gather [hbm4b:s1+s2], $0x80, v4, vm0, $0xb8;
	[tilespmem:$0x10500] =	vst v63  }
0xbf: {  	_ = 	snop  }
0xc0: {  	[tilespmem:s15], [sflag:$0x2] =	stream.indirect_vreg.gather [hbm4b:s1+s2], $0x80, v3, vm0, $0xb8;
	[tilespmem:$0x10500] =	vst v63  }
0xc1: {  	v3 =	vld [tilespmem:$0x4B0];
	_ =	sdelay $0x4  }
0xc2: {  	v59 =	vshll.u32 v3, $0x1  }
0xc3: {  	v3 =	vand.u32 $0x7, v3;
	v4 =	vand.u32 $0xFFFFFFF0, v59  }
0xc4: {  	v3 =	vor.u32 v3, v4  }
0xc5: {  	v4 =	vperm.xlane v3, v0;
	_ =	sdelay $0x1  }
0xc6: {  	v3 =	vperm.xlane v3, v2;
	v4 =	vadd.s32 v1, v4;
	_ =	sdelay $0x1  }
0xc7: {  	v3 =	vadd.s32 v1, v3;
	_ =	sdelay $0x2  }
0xc8: {  	[tilespmem:s16], [sflag:$0x2] =	stream.indirect_vreg.gather [hbm4b:s1+s2], $0x80, v4, vm0, $0xb8;
	[tilespmem:$0x10500] =	vst v63  }
0xc9: {  	_ = 	snop  }
0xca: {  	[tilespmem:s17], [sflag:$0x2] =	stream.indirect_vreg.gather [hbm4b:s1+s2], $0x80, v3, vm0, $0xb8;
	[tilespmem:$0x10500] =	vst v63  }
0xcb: {  	v3 =	vld [tilespmem:$0x4C0];
	_ =	sdelay $0x4  }
0xcc: {  	v60 =	vshll.u32 v3, $0x1  }
0xcd: {  	v3 =	vand.u32 $0x7, v3;
	v4 =	vand.u32 $0xFFFFFFF0, v60  }
0xce: {  	v3 =	vor.u32 v3, v4  }
0xcf: {  	v4 =	vperm.xlane v3, v0;
	_ =	sdelay $0x1  }
0xd0: {  	v3 =	vperm.xlane v3, v2;
	v4 =	vadd.s32 v1, v4;
	_ =	sdelay $0x1  }
0xd1: {  	v3 =	vadd.s32 v1, v3;
	_ =	sdelay $0x2  }
0xd2: {  	[tilespmem:s18], [sflag:$0x2] =	stream.indirect_vreg.gather [hbm4b:s1+s2], $0x80, v4, vm0, $0xb8;
	[tilespmem:$0x10500] =	vst v63  }
0xd3: {  	_ = 	snop  }
0xd4: {  	[tilespmem:s19], [sflag:$0x2] =	stream.indirect_vreg.gather [hbm4b:s1+s2], $0x80, v3, vm0, $0xb8;
	[tilespmem:$0x10500] =	vst v63  }
0xd5: {  	v3 =	vld [tilespmem:$0x4D0];
	_ =	sdelay $0x4  }
0xd6: {  	v61 =	vshll.u32 v3, $0x1  }
0xd7: {  	v3 =	vand.u32 $0x7, v3;
	v4 =	vand.u32 $0xFFFFFFF0, v61  }
0xd8: {  	v3 =	vor.u32 v3, v4  }
0xd9: {  	v4 =	vperm.xlane v3, v0;
	_ =	sdelay $0x1  }
0xda: {  	v3 =	vperm.xlane v3, v2;
	v4 =	vadd.s32 v1, v4;
	_ =	sdelay $0x1  }
0xdb: {  	v3 =	vadd.s32 v1, v3;
	_ =	sdelay $0x2  }
0xdc: {  	[tilespmem:s20], [sflag:$0x2] =	stream.indirect_vreg.gather [hbm4b:s1+s2], $0x80, v4, vm0, $0xb8;
	[tilespmem:$0x10500] =	vst v63  }
0xdd: {  	_ = 	snop  }
0xde: {  	[tilespmem:s21], [sflag:$0x2] =	stream.indirect_vreg.gather [hbm4b:s1+s2], $0x80, v3, vm0, $0xb8;
	[tilespmem:$0x10500] =	vst v63  }
0xdf: {  	v3 =	vld [tilespmem:$0x4E0];
	_ =	sdelay $0x4  }
0xe0: {  	v62 =	vshll.u32 v3, $0x1  }
0xe1: {  	v3 =	vand.u32 $0x7, v3;
	v4 =	vand.u32 $0xFFFFFFF0, v62  }
0xe2: {  	v3 =	vor.u32 v3, v4  }
0xe3: {  	v4 =	vperm.xlane v3, v0;
	_ =	sdelay $0x1  }
0xe4: {  	v3 =	vperm.xlane v3, v2;
	v4 =	vadd.s32 v1, v4;
	_ =	sdelay $0x1  }
0xe5: {  	v3 =	vadd.s32 v1, v3;
	_ =	sdelay $0x2  }
0xe6: {  	[tilespmem:s22], [sflag:$0x2] =	stream.indirect_vreg.gather [hbm4b:s1+s2], $0x80, v4, vm0, $0xb8;
	[tilespmem:$0x10500] =	vst v63  }
0xe7: {  	_ = 	snop  }
0xe8: {  	[tilespmem:s23], [sflag:$0x2] =	stream.indirect_vreg.gather [hbm4b:s1+s2], $0x80, v3, vm0, $0xb8;
	[tilespmem:$0x10500] =	vst v63  }
0xe9: {  	v3 =	vld [tilespmem:$0x4F0];
	_ =	sdelay $0x4  }
0xea: {  	v63 =	vshll.u32 v3, $0x1  }
0xeb: {  	v3 =	vand.u32 $0x7, v3;
	v4 =	vand.u32 $0xFFFFFFF0, v63  }
0xec: {  	v3 =	vor.u32 v3, v4  }
0xed: {  	v4 =	vperm.xlane v3, v0;
	_ =	sdelay $0x1  }
0xee: {  	v3 =	vperm.xlane v3, v2;
	v4 =	vadd.s32 v1, v4;
	_ =	sdelay $0x1  }
0xef: {  	v3 =	vadd.s32 v1, v3;
	_ =	sdelay $0x1  }
0xf0: {  	s3 =	sadd.s32 $0x400, s3  }
0xf1: {  	[tilespmem:s24], [sflag:$0x2] =	stream.indirect_vreg.gather [hbm4b:s1+s2], $0x80, v4, vm0, $0xb8;
	[tilespmem:$0x10500] =	vst v63  }
0xf2: {  	p0 =	sne.s32 s3, $0x1200  }
0xf3: {  	[tilespmem:s25], [sflag:$0x2] =	stream.indirect_vreg.gather [hbm4b:s1+s2], $0x80, v3, vm0, $0xb8;
	[tilespmem:$0x10500] =	vst v63  }
.Ltmp0:
0xf4: {  	_ =	swait.ge [sflag:s26], $0x8000;
	(pc) =	sbr.rel @p0 .LBB2_2-.Ltmp0, $4  }
0xf5: {  	[sflag:s26] =	ssyncset.done $0x0  }
0xf6: {  	[sflag:s26] =	ssyncadd.s32 $0xFFFF8000  }
0xf7: {  	[hbm4b:s7+s2] =	stream.linear.scatter [tilespmem:s9], [sflag:$0x3], $0x8000, $0x38;
	[tilespmem:$0x10500] =	vst v63  }
0xf8: {  	s7 =	sadd.s32 $0x2000, s7  }
0xf9: {  	_ =	swait.ge [sflag:s28], $0x8000  }
0xfa: {  	[sflag:s28] =	ssyncset.done $0x0  }
0xfb: {  	s3 =	rddreg [dreg:$0x14];
	[sflag:s28] =	ssyncadd.s32 $0xFFFF8000  }
0xfc: {  	[hbm4b:s3+s2] =	stream.linear.scatter [tilespmem:s10], [sflag:$0x4], $0x8000, $0x38;
	[tilespmem:$0x10500] =	vst v63  }
0xfd: {  	_ =	swait.ge [sflag:s29], $0x8000  }
0xfe: {  	[sflag:s29] =	ssyncset.done $0x0  }
0xff: {  	[sflag:s29] =	ssyncadd.s32 $0xFFFF8000  }
0x100: {  	_ =	swait.ge [sflag:s30], $0x8000  }
0x101: {  	s31 =	sadd.s32 $0x1, s31;
	s7 =	rddreg [dreg:$0x15]  }
0x102: {  	p0 =	sne.s32 s31, s7  }
.Ltmp1:
0x103: {  	_ = 	snop;
	(pc) =	sbr.rel @p0 .LBB2_1-.Ltmp1, $3  }
0x104: {  	_ =	sdelay $0x1  }
0x105: {  	[sflag:s30] =	ssyncset.done $0x0  }
0x106: {  	[sflag:s30] =	ssyncadd.s32 $0xFFFF8000  }
0x107: {  	_ =	sfence.sel $0x180000  }
0x108: {  	[bflag:$0x0] =	sbarrier.arrive $0xFFFF  }
0x109: {  	_ =	strace $0x90000047  }
0x10a: {  	s0 =	stileid.u32;
	[bflag:$0x2] =	sbarrier.arrive $0xFFFF  }
0x10b: {  	p0 =	sne.s32 s0, $0x0;
	s0 =	rddreg [dreg:$0x3]  }
0x10c: {  	s0 =	sadd.s32 @!p0 $0x100000, s0  }
0x10d: {  	[sflag:s0] =	ssyncadd.tile.s32 @!p0 $0x1;
	_ =	shalt  }
.Lfunc_end2:
_tile_overlayer_lowered:
.L_overlay_start_2:
0x10e: {  	(tag) =	ssettag $0x2  }
0x10f: {  	s0 =	rddreg [dreg:$0x0];
	s2 =	stileid.u32  }
0x110: {  	s1 =	rddreg [dreg:$0x1];
	p0 =	sne.s32 s2, $0x0  }
0x111: {  	s3 =	rddreg [dreg:$0x2];
	[bflag:$0x3] =	sbarrier.arrive $0xFFFF;
	s2 =	simm.s32 @!p0 $0x1C05  }
0x112: {  	[timem:s3], [sflag:s2] =	dma.local @!p0 [hbm:s0], s1  }
0x113: {  	s0 =	simm.s32 @!p0 $0x5  }
0x114: {  	_ =	swait.ge @!p0 [sflag:s0], s1  }
0x115: {  	s1 =	ssub.s32 @!p0 $0x0, s1;
	[sflag:s0] =	ssyncset.done @!p0 $0x0  }
0x116: {  	[sflag:s0] =	ssyncadd.s32 @!p0 s1  }
0x117: {  	[bflag:$0x3] =	sbarrier.arrive $0xFFFF  }
0x118: {  	_ =	shalt  }

</sc_bundles>
